<compile_context>
chip_gen: v7x
topology: tpu7x:2x2x1
jax: 0.10.2.dev20260603
libtpu: 0.0.44.dev20260713+nightly
codegen_flags: <defaults>
</compile_context>

<pallas_src>
import functools

import jax
import jax.numpy as jnp
from jax import lax
from jax.experimental import pallas as pl
from jax.experimental.pallas import tpu as pltpu
from jax.experimental.pallas import tpu_sc as plsc

N = 10000
E = 320000
D = 128
EA = 16
EPS = 1e-5

f32 = jnp.float32
bf16 = jnp.bfloat16

_NC = 2
_NS = 16
_NW = _NC * _NS

EH = E // 2

_GEW = EH // _NS
_GC = 80
_GNCH = _GEW // _GC

_SEW = EH // _NW
_SC = 40
_SNCH = _SEW // _SC

_BE = 8000
_GE = EH // _BE
_BN = 2000
_GN = N // _BN


def _softplus(x):
    return jnp.maximum(x, 0.0) + jnp.log1p(jnp.exp(-jnp.abs(x)))



def _node_precompute(x, W1a, W1c, b1):
    def body(x_ref, wa_ref, wc_ref, b1_ref, xa_ref, xc_ref):
        xv = x_ref[...]
        xa_ref[...] = jnp.dot(xv, wa_ref[...], preferred_element_type=f32) + b1_ref[...]
        xc_ref[...] = jnp.dot(xv, wc_ref[...], preferred_element_type=f32)

    return pl.pallas_call(
        body,
        grid=(_GN,),
        in_specs=[pl.BlockSpec((_BN, D), lambda i: (i, 0)),
                  pl.BlockSpec((D, D), lambda i: (0, 0)),
                  pl.BlockSpec((D, D), lambda i: (0, 0)),
                  pl.BlockSpec((1, D), lambda i: (0, 0))],
        out_specs=[pl.BlockSpec((_BN, D), lambda i: (i, 0)),
                   pl.BlockSpec((_BN, D), lambda i: (i, 0))],
        out_shape=[jax.ShapeDtypeStruct((N, D), f32),
                   jax.ShapeDtypeStruct((N, D), f32)],
    )(x, W1a, W1c, b1.reshape(1, D))


def _ea_transpose(ea_t):
    BLK = 16000

    def body(t_ref, o_ref):
        o_ref[...] = t_ref[...].T

    return pl.pallas_call(
        body,
        grid=(E // BLK,),
        in_specs=[pl.BlockSpec((EA, BLK), lambda i: (0, i))],
        out_specs=pl.BlockSpec((BLK, EA), lambda i: (i, 0)),
        out_shape=jax.ShapeDtypeStruct((E, EA), f32),
    )(ea_t)


def _edge_stage1(gpair, ea, W1b, half):
    base = half * (EH // _BE)

    def body(g_ref, ea_ref, w_ref, z1_ref, s1_ref, s2_ref):
        i = pl.program_id(0)
        z = (g_ref[0] + g_ref[1]
             + jnp.dot(ea_ref[...], w_ref[...], preferred_element_type=f32))
        z1_ref[...] = z.astype(bf16)
        zr = z.reshape(_BE // 8, 8, D)

        @pl.when(i == 0)
        def _():
            s1_ref[...] = jnp.zeros_like(s1_ref)
            s2_ref[...] = jnp.zeros_like(s2_ref)

        s1_ref[...] += jnp.sum(zr, axis=0)
        s2_ref[...] += jnp.sum(zr * zr, axis=0)

    return pl.pallas_call(
        body,
        grid=(_GE,),
        in_specs=[pl.BlockSpec((2, _BE, D), lambda i: (0, i, 0)),
                  pl.BlockSpec((_BE, EA), lambda i: (base + i, 0)),
                  pl.BlockSpec((EA, D), lambda i: (0, 0))],
        out_specs=[pl.BlockSpec((_BE, D), lambda i: (i, 0)),
                   pl.BlockSpec((8, D), lambda i: (0, 0)),
                   pl.BlockSpec((8, D), lambda i: (0, 0))],
        out_shape=[jax.ShapeDtypeStruct((EH, D), bf16),
                   jax.ShapeDtypeStruct((8, D), f32),
                   jax.ShapeDtypeStruct((8, D), f32)],
    )(gpair, ea, W1b)


def _edge_stage2(z1, W2, b2, sc1, sh1):
    def body(z1_ref, w_ref, b2_ref, sc_ref, sh_ref, z2_ref, s1_ref, s2_ref):
        i = pl.program_id(0)
        h = _softplus(z1_ref[...].astype(f32) * sc_ref[...] + sh_ref[...])
        z2 = jnp.dot(h, w_ref[...], preferred_element_type=f32) + b2_ref[...]
        z2_ref[...] = z2.astype(bf16)
        zr = z2.reshape(_BE // 8, 8, D)

        @pl.when(i == 0)
        def _():
            s1_ref[...] = jnp.zeros_like(s1_ref)
            s2_ref[...] = jnp.zeros_like(s2_ref)

        s1_ref[...] += jnp.sum(zr, axis=0)
        s2_ref[...] += jnp.sum(zr * zr, axis=0)

    return pl.pallas_call(
        body,
        grid=(_GE,),
        in_specs=[pl.BlockSpec((_BE, D), lambda i: (i, 0)),
                  pl.BlockSpec((D, D), lambda i: (0, 0)),
                  pl.BlockSpec((1, D), lambda i: (0, 0)),
                  pl.BlockSpec((1, D), lambda i: (0, 0)),
                  pl.BlockSpec((1, D), lambda i: (0, 0))],
        out_specs=[pl.BlockSpec((_BE, D), lambda i: (i, 0)),
                   pl.BlockSpec((8, D), lambda i: (0, 0)),
                   pl.BlockSpec((8, D), lambda i: (0, 0))],
        out_shape=[jax.ShapeDtypeStruct((EH, D), bf16),
                   jax.ShapeDtypeStruct((8, D), f32),
                   jax.ShapeDtypeStruct((8, D), f32)],
    )(z1, W2, b2.reshape(1, D), sc1, sh1)


def _edge_messages(z2, sc2, sh2):
    def body(z_ref, sc_ref, sh_ref, o_ref):
        o_ref[...] = _softplus(z_ref[...].astype(f32) * sc_ref[...] + sh_ref[...])

    return pl.pallas_call(
        body,
        grid=(_GE,),
        in_specs=[pl.BlockSpec((_BE, D), lambda i: (i, 0)),
                  pl.BlockSpec((1, D), lambda i: (0, 0)),
                  pl.BlockSpec((1, D), lambda i: (0, 0))],
        out_specs=pl.BlockSpec((_BE, D), lambda i: (i, 0)),
        out_shape=jax.ShapeDtypeStruct((EH, D), f32),
    )(z2, sc2, sh2)


def _node_update(x, pA, pB, Wn, bnb):
    def body(x_ref, pa_ref, pb_ref, w_ref, b_ref, z3_ref, s1_ref, s2_ref):
        i = pl.program_id(0)
        v = x_ref[...] + pa_ref[0] + pa_ref[1] + pb_ref[0] + pb_ref[1]
        z3 = jnp.dot(v, w_ref[...], preferred_element_type=f32) + b_ref[...]
        z3_ref[...] = z3
        zr = z3.reshape(_BN // 8, 8, D)

        @pl.when(i == 0)
        def _():
            s1_ref[...] = jnp.zeros_like(s1_ref)
            s2_ref[...] = jnp.zeros_like(s2_ref)

        s1_ref[...] += jnp.sum(zr, axis=0)
        s2_ref[...] += jnp.sum(zr * zr, axis=0)

    return pl.pallas_call(
        body,
        grid=(_GN,),
        in_specs=[pl.BlockSpec((_BN, D), lambda i: (i, 0)),
                  pl.BlockSpec((2, _BN, D), lambda i: (0, i, 0)),
                  pl.BlockSpec((2, _BN, D), lambda i: (0, i, 0)),
                  pl.BlockSpec((D, D), lambda i: (0, 0)),
                  pl.BlockSpec((1, D), lambda i: (0, 0))],
        out_specs=[pl.BlockSpec((_BN, D), lambda i: (i, 0)),
                   pl.BlockSpec((8, D), lambda i: (0, 0)),
                   pl.BlockSpec((8, D), lambda i: (0, 0))],
        out_shape=[jax.ShapeDtypeStruct((N, D), f32),
                   jax.ShapeDtypeStruct((8, D), f32),
                   jax.ShapeDtypeStruct((8, D), f32)],
    )(x, pA, pB, Wn, bnb.reshape(1, D))


def _final_softplus(z, sc, sh):
    def body(z_ref, sc_ref, sh_ref, o_ref):
        o_ref[...] = _softplus(z_ref[...] * sc_ref[...] + sh_ref[...])

    return pl.pallas_call(
        body,
        grid=(_GN,),
        in_specs=[pl.BlockSpec((_BN, D), lambda i: (i, 0)),
                  pl.BlockSpec((1, D), lambda i: (0, 0)),
                  pl.BlockSpec((1, D), lambda i: (0, 0))],
        out_specs=pl.BlockSpec((_BN, D), lambda i: (i, 0)),
        out_shape=jax.ShapeDtypeStruct((N, D), f32),
    )(z, sc, sh)



def _gather_pairs(xa, xc, idx1, half):
    mesh = plsc.VectorSubcoreMesh(core_axis_name="c", subcore_axis_name="s")
    e0 = half * EH

    @functools.partial(
        pl.kernel,
        out_type=jax.ShapeDtypeStruct((2, EH, D), f32),
        mesh=mesh,
        scratch_types=(
            pltpu.VMEM((_GEW,), jnp.int32),
            pltpu.VMEM((_GC, D), f32),
            pltpu.VMEM((_GC, D), f32),
            pltpu.VMEM_SHARED((N, D), f32),
            pltpu.SemaphoreType.DMA,
            pltpu.SemaphoreType.DMA,
        ),
    )
    def gather_kernel(xa_hbm, xc_hbm, idx_hbm, g2_hbm, idxs, b0, b1, sp, sg, sw):
        cid = lax.axis_index("c")
        sid = lax.axis_index("s")

        @pl.when(jnp.logical_and(sid == 0, cid == 0))
        def _():
            pltpu.sync_copy(xa_hbm, sp)

        @pl.when(jnp.logical_and(sid == 0, cid == 1))
        def _():
            pltpu.sync_copy(xc_hbm, sp)

        pltpu.sync_copy(idx_hbm.at[pl.ds(cid * E + e0 + sid * _GEW, _GEW)], idxs)
        plsc.subcore_barrier()

        base = sid * _GEW
        bufs = (b0, b1)

        def do_pair(t, npair):
            descs = []
            for b in range(npair):
                j = t * 2 + b
                descs.append(pltpu.async_copy(
                    sp.at[idxs.at[pl.ds(j * _GC, _GC)]], bufs[b], sg))
            ws = []
            for b in range(npair):
                j = t * 2 + b
                off = base + j * _GC
                descs[b].wait()
                ws.append(pltpu.async_copy(bufs[b], g2_hbm.at[cid, pl.ds(off, _GC)], sw))
            for w in ws:
                w.wait()

        def body(t, carry):
            do_pair(t, 2)
            return carry

        lax.fori_loop(0, _GNCH // 2, body, 0)
        if _GNCH % 2:
            do_pair(_GNCH // 2, 1)

    return gather_kernel(xa, xc, idx1)


def _scatter_add(msg, idx1, zeros_nd, half):
    mesh = plsc.VectorSubcoreMesh(core_axis_name="c", subcore_axis_name="s")
    e0 = half * EH

    @functools.partial(
        pl.kernel,
        out_type=jax.ShapeDtypeStruct((2, N, D), f32),
        mesh=mesh,
        scratch_types=(
            pltpu.VMEM((_SEW,), jnp.int32),
            pltpu.VMEM((_SC, D), f32),
            pltpu.VMEM((_SC, D), f32),
            pltpu.VMEM_SHARED((N, D), f32),
            pltpu.SemaphoreType.DMA,
            pltpu.SemaphoreType.DMA,
        ),
    )
    def scatter_kernel(msg_hbm, idx_hbm, zeros_hbm, out_hbm,
                       cols_v, b0, b1, agg, sm, ss):
        cid = lax.axis_index("c")
        sid = lax.axis_index("s")
        wid = sid * _NC + cid

        @pl.when(sid == 0)
        def _():
            pltpu.sync_copy(zeros_hbm, agg)

        pltpu.sync_copy(idx_hbm.at[pl.ds(E + e0 + wid * _SEW, _SEW)], cols_v)
        plsc.subcore_barrier()

        base = wid * _SEW
        bufs = (b0, b1)

        def do_pair(t, npair):
            descs = []
            for b in range(npair):
                j = t * 2 + b
                off = base + j * _SC
                descs.append(pltpu.async_copy(msg_hbm.at[pl.ds(off, _SC)], bufs[b], sm))
            ws = []
            for b in range(npair):
                j = t * 2 + b
                descs[b].wait()
                ws.append(pltpu.async_copy(
                    bufs[b], agg.at[cols_v.at[pl.ds(j * _SC, _SC)]], ss, add=True))
            for w in ws:
                w.wait()

        def body(t, carry):
            do_pair(t, 2)
            return carry

        lax.fori_loop(0, _SNCH // 2, body, 0)
        if _SNCH % 2:
            do_pair(_SNCH // 2, 1)

        plsc.subcore_barrier()

        @pl.when(sid == 0)
        def _():
            pltpu.sync_copy(agg, out_hbm.at[cid])

    return scatter_kernel(msg, idx1, zeros_nd)



def _bn_coeffs(s1, s2, count, gamma, beta):
    mean = s1.sum(0) / count
    var = s2.sum(0) / count - mean * mean
    scale = gamma * lax.rsqrt(var + EPS)
    shift = beta - mean * scale
    return scale.reshape(1, D), shift.reshape(1, D)


def kernel(x, edge_index, edge_attr, W1, b1, g1, be1, W2, b2, g2, be2,
           Wn, bn, gn, ben):
    idx1 = edge_index.reshape(2 * E)
    W1a = W1[:D]
    W1b = W1[D:D + EA]
    W1c = W1[D + EA:]

    ea = _ea_transpose(edge_attr.T)
    xa, xc = _node_precompute(x, W1a, W1c, b1)
    gpA = _gather_pairs(xa, xc, idx1, 0)
    gpB = _gather_pairs(xa, xc, idx1, 1)
    z1A, s1A, s2A = _edge_stage1(gpA, ea, W1b, 0)
    z1B, s1B, s2B = _edge_stage1(gpB, ea, W1b, 1)
    sc1, sh1 = _bn_coeffs(s1A + s1B, s2A + s2B, E, g1, be1)
    z2A, t1A, t2A = _edge_stage2(z1A, W2, b2, sc1, sh1)
    z2B, t1B, t2B = _edge_stage2(z1B, W2, b2, sc1, sh1)
    sc2, sh2 = _bn_coeffs(t1A + t1B, t2A + t2B, E, g2, be2)
    zeros_nd = jnp.zeros((N, D), f32)
    msgA = _edge_messages(z2A, sc2, sh2)
    partsA = _scatter_add(msgA, idx1, zeros_nd, 0)
    msgB = _edge_messages(z2B, sc2, sh2)
    partsB = _scatter_add(msgB, idx1, zeros_nd, 1)
    z3, u1, u2 = _node_update(x, partsA, partsB, Wn, bn)
    sc3, sh3 = _bn_coeffs(u1, u2, N, gn, ben)
    return _final_softplus(z3, sc3, sh3)

# --- scband reference (transcript-rebuilt; emitter-appended) ---
"""Pipeline reference for scband-cgconv-3908420239766 (READ-ONLY COPY).

The authoritative reference and input builder live on the scoring server;
editing this copy changes nothing except your own understanding.
"""

import jax, jax.numpy as jnp
import numpy as np

N_NODES = 10000
N_EDGES = 320000
NODE_DIM = 128
EDGE_DIM = 16
EPS = 1e-5


def batchnorm(h, gamma, beta):
    mean = jnp.mean(h, axis=0)
    var = jnp.var(h, axis=0)
    return (h - mean) / jnp.sqrt(var + EPS) * gamma + beta


def setup_inputs(seed: int = 0) -> dict:
    key = jax.random.key(seed)
    ks = jax.random.split(key, 8)
    x = jax.random.normal(ks[0], (N_NODES, NODE_DIM), dtype=jnp.float32)
    edge_index = jax.random.randint(ks[1], (2, N_EDGES), 0, N_NODES, dtype=jnp.int32)
    edge_attr = jax.random.normal(ks[2], (N_EDGES, EDGE_DIM), dtype=jnp.float32)
    W1 = jax.random.normal(ks[3], (2 * NODE_DIM + EDGE_DIM, NODE_DIM), dtype=jnp.float32) * 0.05
    b1 = jnp.zeros((NODE_DIM,), dtype=jnp.float32)
    g1 = jnp.ones((NODE_DIM,), dtype=jnp.float32)
    be1 = jnp.zeros((NODE_DIM,), dtype=jnp.float32)
    W2 = jax.random.normal(ks[4], (NODE_DIM, NODE_DIM), dtype=jnp.float32) * 0.05
    b2 = jnp.zeros((NODE_DIM,), dtype=jnp.float32)
    g2 = jnp.ones((NODE_DIM,), dtype=jnp.float32)
    be2 = jnp.zeros((NODE_DIM,), dtype=jnp.float32)
    Wn = jax.random.normal(ks[5], (NODE_DIM, NODE_DIM), dtype=jnp.float32) * 0.05
    bn = jnp.zeros((NODE_DIM,), dtype=jnp.float32)
    gn = jnp.ones((NODE_DIM,), dtype=jnp.float32)
    ben = jnp.zeros((NODE_DIM,), dtype=jnp.float32)
    return {"x": x, "edge_index": edge_index, "edge_attr": edge_attr,
            "W1": W1, "b1": b1, "g1": g1, "be1": be1,
            "W2": W2, "b2": b2, "g2": g2, "be2": be2,
            "Wn": Wn, "bn": bn, "gn": gn, "ben": ben}


def reference(x, edge_index, edge_attr, W1, b1, g1, be1, W2, b2, g2, be2, Wn, bn, gn, ben):
    row = edge_index[0]
    col = edge_index[1]
    edge_features = jnp.concatenate([x[row], edge_attr, x[col]], axis=1)
    h = jax.nn.softplus(batchnorm(edge_features @ W1 + b1, g1, be1))
    edge_messages = jax.nn.softplus(batchnorm(h @ W2 + b2, g2, be2))
    aggregated = jnp.zeros_like(x).at[col].add(edge_messages)
    x_new = jax.nn.softplus(batchnorm((x + aggregated) @ Wn + bn, gn, ben))
    return x_new

if __name__ == "__main__":
    import jax
    _d = setup_inputs()
    print(jax.jit(kernel)(*tuple(_d.values())))

</pallas_src>

<mosaic_0001>
#map = affine_map<(d0, d1) -> (0, 0)>
#map1 = affine_map<(d0, d1) -> (0)>
#map2 = affine_map<(d0, d1) -> (0, 0, 0)>
module attributes {stable_mosaic.version = 14 : i64} {
  func.func @scatter_kernel(%arg0: i32, %arg1: i32, %arg2: memref<160000x128xf32, #tpu.memory_space<hbm>>, %arg3: memref<640000xi32, #tpu.memory_space<hbm>>, %arg4: memref<10000x128xf32, #tpu.memory_space<hbm>>, %arg5: memref<2x10000x128xf32, #tpu.memory_space<hbm>>, %arg6: memref<5000xi32, #tpu.memory_space<vmem>>, %arg7: memref<40x128xf32, #tpu.memory_space<vmem>>, %arg8: memref<40x128xf32, #tpu.memory_space<vmem>>, %arg9: memref<10000x128xf32, #tpu.memory_space<vmem_shared>>, %arg10: memref<!tpu.dma_semaphore, #tpu.memory_space<semaphore_mem>>, %arg11: memref<!tpu.dma_semaphore, #tpu.memory_space<semaphore_mem>>) attributes {dimension_semantics = [#tpu.dimension_semantics<core_parallel>, #tpu.dimension_semantics<subcore_parallel>], iteration_bounds = array<i64: 2, 16>, scalar_prefetch = 0 : i64, scratch_operands = 6 : i64, tpu.core_type = #tpu.core_type<sc_vector_subcore>, window_params = [{transform_indices = #map}, {transform_indices = #map1}, {transform_indices = #map}, {transform_indices = #map2}]} {
    %mul3A = arith.constant 2 : i32
    %mul3A_0 = arith.muli %arg1, %mul3A : i32
    %add3A = arith.addi %mul3A_0, %arg0 : i32
    %eq3A = arith.constant 0 : i32
    %eq3A_1 = arith.cmpi eq, %arg1, %eq3A : i32
    %convert_element_type3A = arith.extui %eq3A_1 : i1 to i32
    %cond3A = arith.constant 0 : i32
    %cond3A_2 = arith.cmpi ne, %convert_element_type3A, %cond3A : i32
    scf.if %cond3A_2 {
      "tpu.region"() ({
        %run_scoped3A = tpu.sem_alloc : memref<!tpu.dma_semaphore, #tpu.memory_space<semaphore_mem>>
        tpu.enqueue_dma source(%arg4 : memref<10000x128xf32, #tpu.memory_space<hbm>>) target(%arg9 : memref<10000x128xf32, #tpu.memory_space<vmem_shared>>) target_semaphore(%run_scoped3A : memref<!tpu.dma_semaphore, #tpu.memory_space<semaphore_mem>>)
        tpu.wait_dma2 semaphore(%run_scoped3A : memref<!tpu.dma_semaphore, #tpu.memory_space<semaphore_mem>>) src(%arg4 : memref<10000x128xf32, #tpu.memory_space<hbm>>) dst(%arg9 : memref<10000x128xf32, #tpu.memory_space<vmem_shared>>)
        tpu.yield
      }) : () -> ()
    } else {
    }
    %mul3A_3 = arith.constant 5000 : i32
    %mul3A_4 = arith.muli %add3A, %mul3A_3 : i32
    %add3A_5 = arith.constant 320000 : i32
    %add3A_6 = arith.addi %add3A_5, %mul3A_4 : i32
    "tpu.region"() ({
      %run_scoped3A = tpu.sem_alloc : memref<!tpu.dma_semaphore, #tpu.memory_space<semaphore_mem>>
      %dma_start3A_38 = tpu.memref_slice %arg3[%add3A_6] : memref<640000xi32, #tpu.memory_space<hbm>> -> memref<5000xi32, #tpu.memory_space<hbm>>
      %dma_start3A_39 = tpu.memref_slice %arg3[%add3A_6] : memref<640000xi32, #tpu.memory_space<hbm>> -> memref<5000xi32, #tpu.memory_space<hbm>>
      tpu.enqueue_dma source(%dma_start3A_39 : memref<5000xi32, #tpu.memory_space<hbm>>) target(%arg6 : memref<5000xi32, #tpu.memory_space<vmem>>) target_semaphore(%run_scoped3A : memref<!tpu.dma_semaphore, #tpu.memory_space<semaphore_mem>>)
      %dma_wait3A_40 = tpu.memref_slice %arg3[%add3A_6] : memref<640000xi32, #tpu.memory_space<hbm>> -> memref<5000xi32, #tpu.memory_space<hbm>>
      %dma_wait3A_41 = tpu.memref_slice %arg3[%add3A_6] : memref<640000xi32, #tpu.memory_space<hbm>> -> memref<5000xi32, #tpu.memory_space<hbm>>
      tpu.wait_dma2 semaphore(%run_scoped3A : memref<!tpu.dma_semaphore, #tpu.memory_space<semaphore_mem>>) src(%dma_wait3A_41 : memref<5000xi32, #tpu.memory_space<hbm>>) dst(%arg6 : memref<5000xi32, #tpu.memory_space<vmem>>)
      tpu.yield
    }) : () -> ()
    %barrier3A = arith.constant 0 : index
    tpu.barrier barrier_id(%barrier3A)
    %mul3A_7 = arith.constant 5000 : i32
    %mul3A_8 = arith.muli %add3A, %mul3A_7 : i32
    %scan3A = arith.constant 0 : i32
    %scan3A_9 = arith.constant 0 : i32
    %scan3A_10 = arith.constant 62 : i32
    %scan3A_11 = arith.addi %scan3A_9, %scan3A_10 : i32
    %scan3A_12 = arith.constant 1 : i32
    scf.for %scan3A_38 = %scan3A_9 to %scan3A_11 step %scan3A_12  : i32 {
      %mul3A_39 = arith.constant 2 : i32
      %mul3A_40 = arith.muli %scan3A_38, %mul3A_39 : i32
      %add3A_41 = arith.constant 0 : i32
      %add3A_42 = arith.addi %mul3A_40, %add3A_41 : i32
      %mul3A_43 = arith.constant 40 : i32
      %mul3A_44 = arith.muli %add3A_42, %mul3A_43 : i32
      %add3A_45 = arith.addi %mul3A_8, %mul3A_44 : i32
      %dma_start3A_46 = arith.constant 0 : i32
      %dma_start3A_47 = tpu.memref_slice %arg2[%add3A_45, %dma_start3A_46] : memref<160000x128xf32, #tpu.memory_space<hbm>> -> memref<40x128xf32, #tpu.memory_space<hbm>>
      %dma_start3A_48 = arith.constant 0 : i32
      %dma_start3A_49 = tpu.memref_slice %arg2[%add3A_45, %dma_start3A_48] : memref<160000x128xf32, #tpu.memory_space<hbm>> -> memref<40x128xf32, #tpu.memory_space<hbm>>
      tpu.enqueue_dma source(%dma_start3A_49 : memref<40x128xf32, #tpu.memory_space<hbm>>) target(%arg7 : memref<40x128xf32, #tpu.memory_space<vmem>>) target_semaphore(%arg10 : memref<!tpu.dma_semaphore, #tpu.memory_space<semaphore_mem>>)
      %mul3A_50 = arith.constant 2 : i32
      %mul3A_51 = arith.muli %scan3A_38, %mul3A_50 : i32
      %add3A_52 = arith.constant 1 : i32
      %add3A_53 = arith.addi %mul3A_51, %add3A_52 : i32
      %mul3A_54 = arith.constant 40 : i32
      %mul3A_55 = arith.muli %add3A_53, %mul3A_54 : i32
      %add3A_56 = arith.addi %mul3A_8, %mul3A_55 : i32
      %dma_start3A_57 = arith.constant 0 : i32
      %dma_start3A_58 = tpu.memref_slice %arg2[%add3A_56, %dma_start3A_57] : memref<160000x128xf32, #tpu.memory_space<hbm>> -> memref<40x128xf32, #tpu.memory_space<hbm>>
      %dma_start3A_59 = arith.constant 0 : i32
      %dma_start3A_60 = tpu.memref_slice %arg2[%add3A_56, %dma_start3A_59] : memref<160000x128xf32, #tpu.memory_space<hbm>> -> memref<40x128xf32, #tpu.memory_space<hbm>>
      tpu.enqueue_dma source(%dma_start3A_60 : memref<40x128xf32, #tpu.memory_space<hbm>>) target(%arg8 : memref<40x128xf32, #tpu.memory_space<vmem>>) target_semaphore(%arg10 : memref<!tpu.dma_semaphore, #tpu.memory_space<semaphore_mem>>)
      %mul3A_61 = arith.constant 2 : i32
      %mul3A_62 = arith.muli %scan3A_38, %mul3A_61 : i32
      %add3A_63 = arith.constant 0 : i32
      %add3A_64 = arith.addi %mul3A_62, %add3A_63 : i32
      %dma_wait3A_65 = arith.constant 0 : i32
      %dma_wait3A_66 = tpu.memref_slice %arg2[%add3A_45, %dma_wait3A_65] : memref<160000x128xf32, #tpu.memory_space<hbm>> -> memref<40x128xf32, #tpu.memory_space<hbm>>
      %dma_wait3A_67 = arith.constant 0 : i32
      %dma_wait3A_68 = tpu.memref_slice %arg2[%add3A_45, %dma_wait3A_67] : memref<160000x128xf32, #tpu.memory_space<hbm>> -> memref<40x128xf32, #tpu.memory_space<hbm>>
      tpu.wait_dma2 semaphore(%arg10 : memref<!tpu.dma_semaphore, #tpu.memory_space<semaphore_mem>>) src(%dma_wait3A_68 : memref<40x128xf32, #tpu.memory_space<hbm>>) dst(%arg7 : memref<40x128xf32, #tpu.memory_space<vmem>>)
      %mul3A_69 = arith.constant 40 : i32
      %mul3A_70 = arith.muli %add3A_64, %mul3A_69 : i32
      %dma_start3A_71 = tpu.memref_slice %arg6[%mul3A_70] : memref<5000xi32, #tpu.memory_space<vmem>> -> memref<40xi32, #tpu.memory_space<vmem>>
      %dma_start3A_72 = arith.constant 0 : i32
      %dma_start3A_73 = arith.constant 0 : i32
      %dma_start3A_74 = tpu.memref_slice %arg9[%dma_start3A_72, %dma_start3A_73] : memref<10000x128xf32, #tpu.memory_space<vmem_shared>> -> memref<10000x128xf32, #tpu.memory_space<vmem_shared>>
      tpu.enqueue_indirect_dma source(%arg7 : memref<40x128xf32, #tpu.memory_space<vmem>>) target(%dma_start3A_74 : memref<10000x128xf32, #tpu.memory_space<vmem_shared>>) offsets(%dma_start3A_71 : memref<40xi32, #tpu.memory_space<vmem>>) semaphore(%arg11 : memref<!tpu.dma_semaphore, #tpu.memory_space<semaphore_mem>>) {add = true}
      %mul3A_75 = arith.constant 2 : i32
      %mul3A_76 = arith.muli %scan3A_38, %mul3A_75 : i32
      %add3A_77 = arith.constant 1 : i32
      %add3A_78 = arith.addi %mul3A_76, %add3A_77 : i32
      %dma_wait3A_79 = arith.constant 0 : i32
      %dma_wait3A_80 = tpu.memref_slice %arg2[%add3A_56, %dma_wait3A_79] : memref<160000x128xf32, #tpu.memory_space<hbm>> -> memref<40x128xf32, #tpu.memory_space<hbm>>
      %dma_wait3A_81 = arith.constant 0 : i32
      %dma_wait3A_82 = tpu.memref_slice %arg2[%add3A_56, %dma_wait3A_81] : memref<160000x128xf32, #tpu.memory_space<hbm>> -> memref<40x128xf32, #tpu.memory_space<hbm>>
      tpu.wait_dma2 semaphore(%arg10 : memref<!tpu.dma_semaphore, #tpu.memory_space<semaphore_mem>>) src(%dma_wait3A_82 : memref<40x128xf32, #tpu.memory_space<hbm>>) dst(%arg8 : memref<40x128xf32, #tpu.memory_space<vmem>>)
      %mul3A_83 = arith.constant 40 : i32
      %mul3A_84 = arith.muli %add3A_78, %mul3A_83 : i32
      %dma_start3A_85 = tpu.memref_slice %arg6[%mul3A_84] : memref<5000xi32, #tpu.memory_space<vmem>> -> memref<40xi32, #tpu.memory_space<vmem>>
      %dma_start3A_86 = arith.constant 0 : i32
      %dma_start3A_87 = arith.constant 0 : i32
      %dma_start3A_88 = tpu.memref_slice %arg9[%dma_start3A_86, %dma_start3A_87] : memref<10000x128xf32, #tpu.memory_space<vmem_shared>> -> memref<10000x128xf32, #tpu.memory_space<vmem_shared>>
      tpu.enqueue_indirect_dma source(%arg8 : memref<40x128xf32, #tpu.memory_space<vmem>>) target(%dma_start3A_88 : memref<10000x128xf32, #tpu.memory_space<vmem_shared>>) offsets(%dma_start3A_85 : memref<40xi32, #tpu.memory_space<vmem>>) semaphore(%arg11 : memref<!tpu.dma_semaphore, #tpu.memory_space<semaphore_mem>>) {add = true}
      %dma_wait3A_89 = tpu.memref_slice %arg6[%mul3A_70] : memref<5000xi32, #tpu.memory_space<vmem>> -> memref<40xi32, #tpu.memory_space<vmem>>
      %dma_wait3A_90 = arith.constant 0 : i32
      %dma_wait3A_91 = arith.constant 0 : i32
      %dma_wait3A_92 = tpu.memref_slice %arg9[%dma_wait3A_90, %dma_wait3A_91] : memref<10000x128xf32, #tpu.memory_space<vmem_shared>> -> memref<10000x128xf32, #tpu.memory_space<vmem_shared>>
      tpu.wait_indirect_dma semaphore(%arg11 : memref<!tpu.dma_semaphore, #tpu.memory_space<semaphore_mem>>) src(%arg7 : memref<40x128xf32, #tpu.memory_space<vmem>>) dst(%dma_wait3A_92 : memref<10000x128xf32, #tpu.memory_space<vmem_shared>>)
      %dma_wait3A_93 = tpu.memref_slice %arg6[%mul3A_84] : memref<5000xi32, #tpu.memory_space<vmem>> -> memref<40xi32, #tpu.memory_space<vmem>>
      %dma_wait3A_94 = arith.constant 0 : i32
      %dma_wait3A_95 = arith.constant 0 : i32
      %dma_wait3A_96 = tpu.memref_slice %arg9[%dma_wait3A_94, %dma_wait3A_95] : memref<10000x128xf32, #tpu.memory_space<vmem_shared>> -> memref<10000x128xf32, #tpu.memory_space<vmem_shared>>
      tpu.wait_indirect_dma semaphore(%arg11 : memref<!tpu.dma_semaphore, #tpu.memory_space<semaphore_mem>>) src(%arg8 : memref<40x128xf32, #tpu.memory_space<vmem>>) dst(%dma_wait3A_96 : memref<10000x128xf32, #tpu.memory_space<vmem_shared>>)
    }
    %scan3A_13 = arith.constant 62 : i32
    %add3A_14 = arith.constant 4960 : i32
    %add3A_15 = arith.addi %mul3A_8, %add3A_14 : i32
    %dma_start3A = arith.constant 0 : i32
    %dma_start3A_16 = tpu.memref_slice %arg2[%add3A_15, %dma_start3A] : memref<160000x128xf32, #tpu.memory_space<hbm>> -> memref<40x128xf32, #tpu.memory_space<hbm>>
    %dma_start3A_17 = arith.constant 0 : i32
    %dma_start3A_18 = tpu.memref_slice %arg2[%add3A_15, %dma_start3A_17] : memref<160000x128xf32, #tpu.memory_space<hbm>> -> memref<40x128xf32, #tpu.memory_space<hbm>>
    tpu.enqueue_dma source(%dma_start3A_18 : memref<40x128xf32, #tpu.memory_space<hbm>>) target(%arg7 : memref<40x128xf32, #tpu.memory_space<vmem>>) target_semaphore(%arg10 : memref<!tpu.dma_semaphore, #tpu.memory_space<semaphore_mem>>)
    %dma_wait3A = arith.constant 0 : i32
    %dma_wait3A_19 = tpu.memref_slice %arg2[%add3A_15, %dma_wait3A] : memref<160000x128xf32, #tpu.memory_space<hbm>> -> memref<40x128xf32, #tpu.memory_space<hbm>>
    %dma_wait3A_20 = arith.constant 0 : i32
    %dma_wait3A_21 = tpu.memref_slice %arg2[%add3A_15, %dma_wait3A_20] : memref<160000x128xf32, #tpu.memory_space<hbm>> -> memref<40x128xf32, #tpu.memory_space<hbm>>
    tpu.wait_dma2 semaphore(%arg10 : memref<!tpu.dma_semaphore, #tpu.memory_space<semaphore_mem>>) src(%dma_wait3A_21 : memref<40x128xf32, #tpu.memory_space<hbm>>) dst(%arg7 : memref<40x128xf32, #tpu.memory_space<vmem>>)
    %dma_start3A_22 = arith.constant 4960 : i32
    %dma_start3A_23 = tpu.memref_slice %arg6[%dma_start3A_22] : memref<5000xi32, #tpu.memory_space<vmem>> -> memref<40xi32, #tpu.memory_space<vmem>>
    %dma_start3A_24 = arith.constant 0 : i32
    %dma_start3A_25 = arith.constant 0 : i32
    %dma_start3A_26 = tpu.memref_slice %arg9[%dma_start3A_24, %dma_start3A_25] : memref<10000x128xf32, #tpu.memory_space<vmem_shared>> -> memref<10000x128xf32, #tpu.memory_space<vmem_shared>>
    tpu.enqueue_indirect_dma source(%arg7 : memref<40x128xf32, #tpu.memory_space<vmem>>) target(%dma_start3A_26 : memref<10000x128xf32, #tpu.memory_space<vmem_shared>>) offsets(%dma_start3A_23 : memref<40xi32, #tpu.memory_space<vmem>>) semaphore(%arg11 : memref<!tpu.dma_semaphore, #tpu.memory_space<semaphore_mem>>) {add = true}
    %dma_wait3A_27 = arith.constant 4960 : i32
    %dma_wait3A_28 = tpu.memref_slice %arg6[%dma_wait3A_27] : memref<5000xi32, #tpu.memory_space<vmem>> -> memref<40xi32, #tpu.memory_space<vmem>>
    %dma_wait3A_29 = arith.constant 0 : i32
    %dma_wait3A_30 = arith.constant 0 : i32
    %dma_wait3A_31 = tpu.memref_slice %arg9[%dma_wait3A_29, %dma_wait3A_30] : memref<10000x128xf32, #tpu.memory_space<vmem_shared>> -> memref<10000x128xf32, #tpu.memory_space<vmem_shared>>
    tpu.wait_indirect_dma semaphore(%arg11 : memref<!tpu.dma_semaphore, #tpu.memory_space<semaphore_mem>>) src(%arg7 : memref<40x128xf32, #tpu.memory_space<vmem>>) dst(%dma_wait3A_31 : memref<10000x128xf32, #tpu.memory_space<vmem_shared>>)
    %barrier3A_32 = arith.constant 0 : index
    tpu.barrier barrier_id(%barrier3A_32)
    %eq3A_33 = arith.constant 0 : i32
    %eq3A_34 = arith.cmpi eq, %arg1, %eq3A_33 : i32
    %convert_element_type3A_35 = arith.extui %eq3A_34 : i1 to i32
    %cond3A_36 = arith.constant 0 : i32
    %cond3A_37 = arith.cmpi ne, %convert_element_type3A_35, %cond3A_36 : i32
    scf.if %cond3A_37 {
      "tpu.region"() ({
        %run_scoped3A = tpu.sem_alloc : memref<!tpu.dma_semaphore, #tpu.memory_space<semaphore_mem>>
        %dma_start3A_38 = arith.constant 0 : i32
        %dma_start3A_39 = arith.constant 0 : i32
        %dma_start3A_40 = tpu.memref_slice %arg5[%arg0, %dma_start3A_38, %dma_start3A_39] : memref<2x10000x128xf32, #tpu.memory_space<hbm>> -> memref<1x10000x128xf32, #tpu.memory_space<hbm>>
        %dma_start3A_41 = tpu.memref_squeeze %dma_start3A_40 : memref<1x10000x128xf32, #tpu.memory_space<hbm>> -> memref<10000x128xf32, #tpu.memory_space<hbm>>
        tpu.enqueue_dma source(%arg9 : memref<10000x128xf32, #tpu.memory_space<vmem_shared>>) target(%dma_start3A_41 : memref<10000x128xf32, #tpu.memory_space<hbm>>) target_semaphore(%run_scoped3A : memref<!tpu.dma_semaphore, #tpu.memory_space<semaphore_mem>>)
        %dma_wait3A_42 = arith.constant 0 : i32
        %dma_wait3A_43 = arith.constant 0 : i32
        %dma_wait3A_44 = tpu.memref_slice %arg5[%arg0, %dma_wait3A_42, %dma_wait3A_43] : memref<2x10000x128xf32, #tpu.memory_space<hbm>> -> memref<1x10000x128xf32, #tpu.memory_space<hbm>>
        %dma_wait3A_45 = tpu.memref_squeeze %dma_wait3A_44 : memref<1x10000x128xf32, #tpu.memory_space<hbm>> -> memref<10000x128xf32, #tpu.memory_space<hbm>>
        tpu.wait_dma2 semaphore(%run_scoped3A : memref<!tpu.dma_semaphore, #tpu.memory_space<semaphore_mem>>) src(%arg9 : memref<10000x128xf32, #tpu.memory_space<vmem_shared>>) dst(%dma_wait3A_45 : memref<10000x128xf32, #tpu.memory_space<hbm>>)
        tpu.yield
      }) : () -> ()
    } else {
    }
    return
  }
}

#map = affine_map<(d0, d1) -> (0, 0)>
#map1 = affine_map<(d0, d1) -> (0)>
#map2 = affine_map<(d0, d1) -> (0, 0, 0)>
module attributes {stable_mosaic.version = 14 : i64} {
  func.func @gather_kernel(%arg0: i32, %arg1: i32, %arg2: memref<10000x128xf32, #tpu.memory_space<hbm>>, %arg3: memref<10000x128xf32, #tpu.memory_space<hbm>>, %arg4: memref<640000xi32, #tpu.memory_space<hbm>>, %arg5: memref<2x160000x128xf32, #tpu.memory_space<hbm>>, %arg6: memref<10000xi32, #tpu.memory_space<vmem>>, %arg7: memref<80x128xf32, #tpu.memory_space<vmem>>, %arg8: memref<80x128xf32, #tpu.memory_space<vmem>>, %arg9: memref<10000x128xf32, #tpu.memory_space<vmem_shared>>, %arg10: memref<!tpu.dma_semaphore, #tpu.memory_space<semaphore_mem>>, %arg11: memref<!tpu.dma_semaphore, #tpu.memory_space<semaphore_mem>>) attributes {dimension_semantics = [#tpu.dimension_semantics<core_parallel>, #tpu.dimension_semantics<subcore_parallel>], iteration_bounds = array<i64: 2, 16>, scalar_prefetch = 0 : i64, scratch_operands = 6 : i64, tpu.core_type = #tpu.core_type<sc_vector_subcore>, window_params = [{transform_indices = #map}, {transform_indices = #map}, {transform_indices = #map1}, {transform_indices = #map2}]} {
    %eq3A = arith.constant 0 : i32
    %eq3A_0 = arith.cmpi eq, %arg1, %eq3A : i32
    %eq3A_1 = arith.constant 0 : i32
    %eq3A_2 = arith.cmpi eq, %arg0, %eq3A_1 : i32
    %and3A = arith.andi %eq3A_0, %eq3A_2 : i1
    %convert_element_type3A = arith.extui %and3A : i1 to i32
    %cond3A = arith.constant 0 : i32
    %cond3A_3 = arith.cmpi ne, %convert_element_type3A, %cond3A : i32
    scf.if %cond3A_3 {
      "tpu.region"() ({
        %run_scoped3A = tpu.sem_alloc : memref<!tpu.dma_semaphore, #tpu.memory_space<semaphore_mem>>
        tpu.enqueue_dma source(%arg2 : memref<10000x128xf32, #tpu.memory_space<hbm>>) target(%arg9 : memref<10000x128xf32, #tpu.memory_space<vmem_shared>>) target_semaphore(%run_scoped3A : memref<!tpu.dma_semaphore, #tpu.memory_space<semaphore_mem>>)
        tpu.wait_dma2 semaphore(%run_scoped3A : memref<!tpu.dma_semaphore, #tpu.memory_space<semaphore_mem>>) src(%arg2 : memref<10000x128xf32, #tpu.memory_space<hbm>>) dst(%arg9 : memref<10000x128xf32, #tpu.memory_space<vmem_shared>>)
        tpu.yield
      }) : () -> ()
    } else {
    }
    %eq3A_4 = arith.constant 0 : i32
    %eq3A_5 = arith.cmpi eq, %arg1, %eq3A_4 : i32
    %eq3A_6 = arith.constant 1 : i32
    %eq3A_7 = arith.cmpi eq, %arg0, %eq3A_6 : i32
    %and3A_8 = arith.andi %eq3A_5, %eq3A_7 : i1
    %convert_element_type3A_9 = arith.extui %and3A_8 : i1 to i32
    %cond3A_10 = arith.constant 0 : i32
    %cond3A_11 = arith.cmpi ne, %convert_element_type3A_9, %cond3A_10 : i32
    scf.if %cond3A_11 {
      "tpu.region"() ({
        %run_scoped3A = tpu.sem_alloc : memref<!tpu.dma_semaphore, #tpu.memory_space<semaphore_mem>>
        tpu.enqueue_dma source(%arg3 : memref<10000x128xf32, #tpu.memory_space<hbm>>) target(%arg9 : memref<10000x128xf32, #tpu.memory_space<vmem_shared>>) target_semaphore(%run_scoped3A : memref<!tpu.dma_semaphore, #tpu.memory_space<semaphore_mem>>)
        tpu.wait_dma2 semaphore(%run_scoped3A : memref<!tpu.dma_semaphore, #tpu.memory_space<semaphore_mem>>) src(%arg3 : memref<10000x128xf32, #tpu.memory_space<hbm>>) dst(%arg9 : memref<10000x128xf32, #tpu.memory_space<vmem_shared>>)
        tpu.yield
      }) : () -> ()
    } else {
    }
    %mul3A = arith.constant 320000 : i32
    %mul3A_12 = arith.muli %arg0, %mul3A : i32
    %add3A = arith.constant 160000 : i32
    %add3A_13 = arith.addi %mul3A_12, %add3A : i32
    %mul3A_14 = arith.constant 10000 : i32
    %mul3A_15 = arith.muli %arg1, %mul3A_14 : i32
    %add3A_16 = arith.addi %add3A_13, %mul3A_15 : i32
    "tpu.region"() ({
      %run_scoped3A = tpu.sem_alloc : memref<!tpu.dma_semaphore, #tpu.memory_space<semaphore_mem>>
      %dma_start3A_46 = tpu.memref_slice %arg4[%add3A_16] : memref<640000xi32, #tpu.memory_space<hbm>> -> memref<10000xi32, #tpu.memory_space<hbm>>
      %dma_start3A_47 = tpu.memref_slice %arg4[%add3A_16] : memref<640000xi32, #tpu.memory_space<hbm>> -> memref<10000xi32, #tpu.memory_space<hbm>>
      tpu.enqueue_dma source(%dma_start3A_47 : memref<10000xi32, #tpu.memory_space<hbm>>) target(%arg6 : memref<10000xi32, #tpu.memory_space<vmem>>) target_semaphore(%run_scoped3A : memref<!tpu.dma_semaphore, #tpu.memory_space<semaphore_mem>>)
      %dma_wait3A_48 = tpu.memref_slice %arg4[%add3A_16] : memref<640000xi32, #tpu.memory_space<hbm>> -> memref<10000xi32, #tpu.memory_space<hbm>>
      %dma_wait3A_49 = tpu.memref_slice %arg4[%add3A_16] : memref<640000xi32, #tpu.memory_space<hbm>> -> memref<10000xi32, #tpu.memory_space<hbm>>
      tpu.wait_dma2 semaphore(%run_scoped3A : memref<!tpu.dma_semaphore, #tpu.memory_space<semaphore_mem>>) src(%dma_wait3A_49 : memref<10000xi32, #tpu.memory_space<hbm>>) dst(%arg6 : memref<10000xi32, #tpu.memory_space<vmem>>)
      tpu.yield
    }) : () -> ()
    %barrier3A = arith.constant 0 : index
    tpu.barrier barrier_id(%barrier3A)
    %mul3A_17 = arith.constant 10000 : i32
    %mul3A_18 = arith.muli %arg1, %mul3A_17 : i32
    %scan3A = arith.constant 0 : i32
    %scan3A_19 = arith.constant 0 : i32
    %scan3A_20 = arith.constant 62 : i32
    %scan3A_21 = arith.addi %scan3A_19, %scan3A_20 : i32
    %scan3A_22 = arith.constant 1 : i32
    scf.for %scan3A_46 = %scan3A_19 to %scan3A_21 step %scan3A_22  : i32 {
      %mul3A_47 = arith.constant 2 : i32
      %mul3A_48 = arith.muli %scan3A_46, %mul3A_47 : i32
      %add3A_49 = arith.constant 0 : i32
      %add3A_50 = arith.addi %mul3A_48, %add3A_49 : i32
      %mul3A_51 = arith.constant 80 : i32
      %mul3A_52 = arith.muli %add3A_50, %mul3A_51 : i32
      %dma_start3A_53 = tpu.memref_slice %arg6[%mul3A_52] : memref<10000xi32, #tpu.memory_space<vmem>> -> memref<80xi32, #tpu.memory_space<vmem>>
      %dma_start3A_54 = arith.constant 0 : i32
      %dma_start3A_55 = arith.constant 0 : i32
      %dma_start3A_56 = tpu.memref_slice %arg9[%dma_start3A_54, %dma_start3A_55] : memref<10000x128xf32, #tpu.memory_space<vmem_shared>> -> memref<10000x128xf32, #tpu.memory_space<vmem_shared>>
      tpu.enqueue_indirect_dma source(%dma_start3A_56 : memref<10000x128xf32, #tpu.memory_space<vmem_shared>>) target(%arg7 : memref<80x128xf32, #tpu.memory_space<vmem>>) offsets(%dma_start3A_53 : memref<80xi32, #tpu.memory_space<vmem>>) semaphore(%arg10 : memref<!tpu.dma_semaphore, #tpu.memory_space<semaphore_mem>>)
      %mul3A_57 = arith.constant 2 : i32
      %mul3A_58 = arith.muli %scan3A_46, %mul3A_57 : i32
      %add3A_59 = arith.constant 1 : i32
      %add3A_60 = arith.addi %mul3A_58, %add3A_59 : i32
      %mul3A_61 = arith.constant 80 : i32
      %mul3A_62 = arith.muli %add3A_60, %mul3A_61 : i32
      %dma_start3A_63 = tpu.memref_slice %arg6[%mul3A_62] : memref<10000xi32, #tpu.memory_space<vmem>> -> memref<80xi32, #tpu.memory_space<vmem>>
      %dma_start3A_64 = arith.constant 0 : i32
      %dma_start3A_65 = arith.constant 0 : i32
      %dma_start3A_66 = tpu.memref_slice %arg9[%dma_start3A_64, %dma_start3A_65] : memref<10000x128xf32, #tpu.memory_space<vmem_shared>> -> memref<10000x128xf32, #tpu.memory_space<vmem_shared>>
      tpu.enqueue_indirect_dma source(%dma_start3A_66 : memref<10000x128xf32, #tpu.memory_space<vmem_shared>>) target(%arg8 : memref<80x128xf32, #tpu.memory_space<vmem>>) offsets(%dma_start3A_63 : memref<80xi32, #tpu.memory_space<vmem>>) semaphore(%arg10 : memref<!tpu.dma_semaphore, #tpu.memory_space<semaphore_mem>>)
      %mul3A_67 = arith.constant 2 : i32
      %mul3A_68 = arith.muli %scan3A_46, %mul3A_67 : i32
      %add3A_69 = arith.constant 0 : i32
      %add3A_70 = arith.addi %mul3A_68, %add3A_69 : i32
      %mul3A_71 = arith.constant 80 : i32
      %mul3A_72 = arith.muli %add3A_70, %mul3A_71 : i32
      %add3A_73 = arith.addi %mul3A_18, %mul3A_72 : i32
      %dma_wait3A_74 = tpu.memref_slice %arg6[%mul3A_52] : memref<10000xi32, #tpu.memory_space<vmem>> -> memref<80xi32, #tpu.memory_space<vmem>>
      %dma_wait3A_75 = arith.constant 0 : i32
      %dma_wait3A_76 = arith.constant 0 : i32
      %dma_wait3A_77 = tpu.memref_slice %arg9[%dma_wait3A_75, %dma_wait3A_76] : memref<10000x128xf32, #tpu.memory_space<vmem_shared>> -> memref<10000x128xf32, #tpu.memory_space<vmem_shared>>
      tpu.wait_indirect_dma semaphore(%arg10 : memref<!tpu.dma_semaphore, #tpu.memory_space<semaphore_mem>>) src(%dma_wait3A_77 : memref<10000x128xf32, #tpu.memory_space<vmem_shared>>) dst(%arg7 : memref<80x128xf32, #tpu.memory_space<vmem>>)
      %dma_start3A_78 = arith.constant 0 : i32
      %dma_start3A_79 = tpu.memref_slice %arg5[%arg0, %add3A_73, %dma_start3A_78] : memref<2x160000x128xf32, #tpu.memory_space<hbm>> -> memref<1x80x128xf32, #tpu.memory_space<hbm>>
      %dma_start3A_80 = tpu.memref_squeeze %dma_start3A_79 : memref<1x80x128xf32, #tpu.memory_space<hbm>> -> memref<80x128xf32, #tpu.memory_space<hbm>>
      %dma_start3A_81 = arith.constant 0 : i32
      %dma_start3A_82 = tpu.memref_slice %arg5[%arg0, %add3A_73, %dma_start3A_81] : memref<2x160000x128xf32, #tpu.memory_space<hbm>> -> memref<1x80x128xf32, #tpu.memory_space<hbm>>
      %dma_start3A_83 = tpu.memref_squeeze %dma_start3A_82 : memref<1x80x128xf32, #tpu.memory_space<hbm>> -> memref<80x128xf32, #tpu.memory_space<hbm>>
      tpu.enqueue_dma source(%arg7 : memref<80x128xf32, #tpu.memory_space<vmem>>) target(%dma_start3A_83 : memref<80x128xf32, #tpu.memory_space<hbm>>) target_semaphore(%arg11 : memref<!tpu.dma_semaphore, #tpu.memory_space<semaphore_mem>>)
      %mul3A_84 = arith.constant 2 : i32
      %mul3A_85 = arith.muli %scan3A_46, %mul3A_84 : i32
      %add3A_86 = arith.constant 1 : i32
      %add3A_87 = arith.addi %mul3A_85, %add3A_86 : i32
      %mul3A_88 = arith.constant 80 : i32
      %mul3A_89 = arith.muli %add3A_87, %mul3A_88 : i32
      %add3A_90 = arith.addi %mul3A_18, %mul3A_89 : i32
      %dma_wait3A_91 = tpu.memref_slice %arg6[%mul3A_62] : memref<10000xi32, #tpu.memory_space<vmem>> -> memref<80xi32, #tpu.memory_space<vmem>>
      %dma_wait3A_92 = arith.constant 0 : i32
      %dma_wait3A_93 = arith.constant 0 : i32
      %dma_wait3A_94 = tpu.memref_slice %arg9[%dma_wait3A_92, %dma_wait3A_93] : memref<10000x128xf32, #tpu.memory_space<vmem_shared>> -> memref<10000x128xf32, #tpu.memory_space<vmem_shared>>
      tpu.wait_indirect_dma semaphore(%arg10 : memref<!tpu.dma_semaphore, #tpu.memory_space<semaphore_mem>>) src(%dma_wait3A_94 : memref<10000x128xf32, #tpu.memory_space<vmem_shared>>) dst(%arg8 : memref<80x128xf32, #tpu.memory_space<vmem>>)
      %dma_start3A_95 = arith.constant 0 : i32
      %dma_start3A_96 = tpu.memref_slice %arg5[%arg0, %add3A_90, %dma_start3A_95] : memref<2x160000x128xf32, #tpu.memory_space<hbm>> -> memref<1x80x128xf32, #tpu.memory_space<hbm>>
      %dma_start3A_97 = tpu.memref_squeeze %dma_start3A_96 : memref<1x80x128xf32, #tpu.memory_space<hbm>> -> memref<80x128xf32, #tpu.memory_space<hbm>>
      %dma_start3A_98 = arith.constant 0 : i32
      %dma_start3A_99 = tpu.memref_slice %arg5[%arg0, %add3A_90, %dma_start3A_98] : memref<2x160000x128xf32, #tpu.memory_space<hbm>> -> memref<1x80x128xf32, #tpu.memory_space<hbm>>
      %dma_start3A_100 = tpu.memref_squeeze %dma_start3A_99 : memref<1x80x128xf32, #tpu.memory_space<hbm>> -> memref<80x128xf32, #tpu.memory_space<hbm>>
      tpu.enqueue_dma source(%arg8 : memref<80x128xf32, #tpu.memory_space<vmem>>) target(%dma_start3A_100 : memref<80x128xf32, #tpu.memory_space<hbm>>) target_semaphore(%arg11 : memref<!tpu.dma_semaphore, #tpu.memory_space<semaphore_mem>>)
      %dma_wait3A_101 = arith.constant 0 : i32
      %dma_wait3A_102 = tpu.memref_slice %arg5[%arg0, %add3A_73, %dma_wait3A_101] : memref<2x160000x128xf32, #tpu.memory_space<hbm>> -> memref<1x80x128xf32, #tpu.memory_space<hbm>>
      %dma_wait3A_103 = tpu.memref_squeeze %dma_wait3A_102 : memref<1x80x128xf32, #tpu.memory_space<hbm>> -> memref<80x128xf32, #tpu.memory_space<hbm>>
      %dma_wait3A_104 = arith.constant 0 : i32
      %dma_wait3A_105 = tpu.memref_slice %arg5[%arg0, %add3A_73, %dma_wait3A_104] : memref<2x160000x128xf32, #tpu.memory_space<hbm>> -> memref<1x80x128xf32, #tpu.memory_space<hbm>>
      %dma_wait3A_106 = tpu.memref_squeeze %dma_wait3A_105 : memref<1x80x128xf32, #tpu.memory_space<hbm>> -> memref<80x128xf32, #tpu.memory_space<hbm>>
      tpu.wait_dma2 semaphore(%arg11 : memref<!tpu.dma_semaphore, #tpu.memory_space<semaphore_mem>>) src(%arg7 : memref<80x128xf32, #tpu.memory_space<vmem>>) dst(%dma_wait3A_106 : memref<80x128xf32, #tpu.memory_space<hbm>>)
      %dma_wait3A_107 = arith.constant 0 : i32
      %dma_wait3A_108 = tpu.memref_slice %arg5[%arg0, %add3A_90, %dma_wait3A_107] : memref<2x160000x128xf32, #tpu.memory_space<hbm>> -> memref<1x80x128xf32, #tpu.memory_space<hbm>>
      %dma_wait3A_109 = tpu.memref_squeeze %dma_wait3A_108 : memref<1x80x128xf32, #tpu.memory_space<hbm>> -> memref<80x128xf32, #tpu.memory_space<hbm>>
      %dma_wait3A_110 = arith.constant 0 : i32
      %dma_wait3A_111 = tpu.memref_slice %arg5[%arg0, %add3A_90, %dma_wait3A_110] : memref<2x160000x128xf32, #tpu.memory_space<hbm>> -> memref<1x80x128xf32, #tpu.memory_space<hbm>>
      %dma_wait3A_112 = tpu.memref_squeeze %dma_wait3A_111 : memref<1x80x128xf32, #tpu.memory_space<hbm>> -> memref<80x128xf32, #tpu.memory_space<hbm>>
      tpu.wait_dma2 semaphore(%arg11 : memref<!tpu.dma_semaphore, #tpu.memory_space<semaphore_mem>>) src(%arg8 : memref<80x128xf32, #tpu.memory_space<vmem>>) dst(%dma_wait3A_112 : memref<80x128xf32, #tpu.memory_space<hbm>>)
    }
    %scan3A_23 = arith.constant 62 : i32
    %dma_start3A = arith.constant 9920 : i32
    %dma_start3A_24 = tpu.memref_slice %arg6[%dma_start3A] : memref<10000xi32, #tpu.memory_space<vmem>> -> memref<80xi32, #tpu.memory_space<vmem>>
    %dma_start3A_25 = arith.constant 0 : i32
    %dma_start3A_26 = arith.constant 0 : i32
    %dma_start3A_27 = tpu.memref_slice %arg9[%dma_start3A_25, %dma_start3A_26] : memref<10000x128xf32, #tpu.memory_space<vmem_shared>> -> memref<10000x128xf32, #tpu.memory_space<vmem_shared>>
    tpu.enqueue_indirect_dma source(%dma_start3A_27 : memref<10000x128xf32, #tpu.memory_space<vmem_shared>>) target(%arg7 : memref<80x128xf32, #tpu.memory_space<vmem>>) offsets(%dma_start3A_24 : memref<80xi32, #tpu.memory_space<vmem>>) semaphore(%arg10 : memref<!tpu.dma_semaphore, #tpu.memory_space<semaphore_mem>>)
    %add3A_28 = arith.constant 9920 : i32
    %add3A_29 = arith.addi %mul3A_18, %add3A_28 : i32
    %dma_wait3A = arith.constant 9920 : i32
    %dma_wait3A_30 = tpu.memref_slice %arg6[%dma_wait3A] : memref<10000xi32, #tpu.memory_space<vmem>> -> memref<80xi32, #tpu.memory_space<vmem>>
    %dma_wait3A_31 = arith.constant 0 : i32
    %dma_wait3A_32 = arith.constant 0 : i32
    %dma_wait3A_33 = tpu.memref_slice %arg9[%dma_wait3A_31, %dma_wait3A_32] : memref<10000x128xf32, #tpu.memory_space<vmem_shared>> -> memref<10000x128xf32, #tpu.memory_space<vmem_shared>>
    tpu.wait_indirect_dma semaphore(%arg10 : memref<!tpu.dma_semaphore, #tpu.memory_space<semaphore_mem>>) src(%dma_wait3A_33 : memref<10000x128xf32, #tpu.memory_space<vmem_shared>>) dst(%arg7 : memref<80x128xf32, #tpu.memory_space<vmem>>)
    %dma_start3A_34 = arith.constant 0 : i32
    %dma_start3A_35 = tpu.memref_slice %arg5[%arg0, %add3A_29, %dma_start3A_34] : memref<2x160000x128xf32, #tpu.memory_space<hbm>> -> memref<1x80x128xf32, #tpu.memory_space<hbm>>
    %dma_start3A_36 = tpu.memref_squeeze %dma_start3A_35 : memref<1x80x128xf32, #tpu.memory_space<hbm>> -> memref<80x128xf32, #tpu.memory_space<hbm>>
    %dma_start3A_37 = arith.constant 0 : i32
    %dma_start3A_38 = tpu.memref_slice %arg5[%arg0, %add3A_29, %dma_start3A_37] : memref<2x160000x128xf32, #tpu.memory_space<hbm>> -> memref<1x80x128xf32, #tpu.memory_space<hbm>>
    %dma_start3A_39 = tpu.memref_squeeze %dma_start3A_38 : memref<1x80x128xf32, #tpu.memory_space<hbm>> -> memref<80x128xf32, #tpu.memory_space<hbm>>
    tpu.enqueue_dma source(%arg7 : memref<80x128xf32, #tpu.memory_space<vmem>>) target(%dma_start3A_39 : memref<80x128xf32, #tpu.memory_space<hbm>>) target_semaphore(%arg11 : memref<!tpu.dma_semaphore, #tpu.memory_space<semaphore_mem>>)
    %dma_wait3A_40 = arith.constant 0 : i32
    %dma_wait3A_41 = tpu.memref_slice %arg5[%arg0, %add3A_29, %dma_wait3A_40] : memref<2x160000x128xf32, #tpu.memory_space<hbm>> -> memref<1x80x128xf32, #tpu.memory_space<hbm>>
    %dma_wait3A_42 = tpu.memref_squeeze %dma_wait3A_41 : memref<1x80x128xf32, #tpu.memory_space<hbm>> -> memref<80x128xf32, #tpu.memory_space<hbm>>
    %dma_wait3A_43 = arith.constant 0 : i32
    %dma_wait3A_44 = tpu.memref_slice %arg5[%arg0, %add3A_29, %dma_wait3A_43] : memref<2x160000x128xf32, #tpu.memory_space<hbm>> -> memref<1x80x128xf32, #tpu.memory_space<hbm>>
    %dma_wait3A_45 = tpu.memref_squeeze %dma_wait3A_44 : memref<1x80x128xf32, #tpu.memory_space<hbm>> -> memref<80x128xf32, #tpu.memory_space<hbm>>
    tpu.wait_dma2 semaphore(%arg11 : memref<!tpu.dma_semaphore, #tpu.memory_space<semaphore_mem>>) src(%arg7 : memref<80x128xf32, #tpu.memory_space<vmem>>) dst(%dma_wait3A_45 : memref<80x128xf32, #tpu.memory_space<hbm>>)
    return
  }
}

#map = affine_map<(d0, d1) -> (0, 0)>
#map1 = affine_map<(d0, d1) -> (0)>
#map2 = affine_map<(d0, d1) -> (0, 0, 0)>
module attributes {stable_mosaic.version = 14 : i64} {
  func.func @scatter_kernel(%arg0: i32, %arg1: i32, %arg2: memref<160000x128xf32, #tpu.memory_space<hbm>>, %arg3: memref<640000xi32, #tpu.memory_space<hbm>>, %arg4: memref<10000x128xf32, #tpu.memory_space<hbm>>, %arg5: memref<2x10000x128xf32, #tpu.memory_space<hbm>>, %arg6: memref<5000xi32, #tpu.memory_space<vmem>>, %arg7: memref<40x128xf32, #tpu.memory_space<vmem>>, %arg8: memref<40x128xf32, #tpu.memory_space<vmem>>, %arg9: memref<10000x128xf32, #tpu.memory_space<vmem_shared>>, %arg10: memref<!tpu.dma_semaphore, #tpu.memory_space<semaphore_mem>>, %arg11: memref<!tpu.dma_semaphore, #tpu.memory_space<semaphore_mem>>) attributes {dimension_semantics = [#tpu.dimension_semantics<core_parallel>, #tpu.dimension_semantics<subcore_parallel>], iteration_bounds = array<i64: 2, 16>, scalar_prefetch = 0 : i64, scratch_operands = 6 : i64, tpu.core_type = #tpu.core_type<sc_vector_subcore>, window_params = [{transform_indices = #map}, {transform_indices = #map1}, {transform_indices = #map}, {transform_indices = #map2}]} {
    %mul3A = arith.constant 2 : i32
    %mul3A_0 = arith.muli %arg1, %mul3A : i32
    %add3A = arith.addi %mul3A_0, %arg0 : i32
    %eq3A = arith.constant 0 : i32
    %eq3A_1 = arith.cmpi eq, %arg1, %eq3A : i32
    %convert_element_type3A = arith.extui %eq3A_1 : i1 to i32
    %cond3A = arith.constant 0 : i32
    %cond3A_2 = arith.cmpi ne, %convert_element_type3A, %cond3A : i32
    scf.if %cond3A_2 {
      "tpu.region"() ({
        %run_scoped3A = tpu.sem_alloc : memref<!tpu.dma_semaphore, #tpu.memory_space<semaphore_mem>>
        tpu.enqueue_dma source(%arg4 : memref<10000x128xf32, #tpu.memory_space<hbm>>) target(%arg9 : memref<10000x128xf32, #tpu.memory_space<vmem_shared>>) target_semaphore(%run_scoped3A : memref<!tpu.dma_semaphore, #tpu.memory_space<semaphore_mem>>)
        tpu.wait_dma2 semaphore(%run_scoped3A : memref<!tpu.dma_semaphore, #tpu.memory_space<semaphore_mem>>) src(%arg4 : memref<10000x128xf32, #tpu.memory_space<hbm>>) dst(%arg9 : memref<10000x128xf32, #tpu.memory_space<vmem_shared>>)
        tpu.yield
      }) : () -> ()
    } else {
    }
    %mul3A_3 = arith.constant 5000 : i32
    %mul3A_4 = arith.muli %add3A, %mul3A_3 : i32
    %add3A_5 = arith.constant 480000 : i32
    %add3A_6 = arith.addi %add3A_5, %mul3A_4 : i32
    "tpu.region"() ({
      %run_scoped3A = tpu.sem_alloc : memref<!tpu.dma_semaphore, #tpu.memory_space<semaphore_mem>>
      %dma_start3A_38 = tpu.memref_slice %arg3[%add3A_6] : memref<640000xi32, #tpu.memory_space<hbm>> -> memref<5000xi32, #tpu.memory_space<hbm>>
      %dma_start3A_39 = tpu.memref_slice %arg3[%add3A_6] : memref<640000xi32, #tpu.memory_space<hbm>> -> memref<5000xi32, #tpu.memory_space<hbm>>
      tpu.enqueue_dma source(%dma_start3A_39 : memref<5000xi32, #tpu.memory_space<hbm>>) target(%arg6 : memref<5000xi32, #tpu.memory_space<vmem>>) target_semaphore(%run_scoped3A : memref<!tpu.dma_semaphore, #tpu.memory_space<semaphore_mem>>)
      %dma_wait3A_40 = tpu.memref_slice %arg3[%add3A_6] : memref<640000xi32, #tpu.memory_space<hbm>> -> memref<5000xi32, #tpu.memory_space<hbm>>
      %dma_wait3A_41 = tpu.memref_slice %arg3[%add3A_6] : memref<640000xi32, #tpu.memory_space<hbm>> -> memref<5000xi32, #tpu.memory_space<hbm>>
      tpu.wait_dma2 semaphore(%run_scoped3A : memref<!tpu.dma_semaphore, #tpu.memory_space<semaphore_mem>>) src(%dma_wait3A_41 : memref<5000xi32, #tpu.memory_space<hbm>>) dst(%arg6 : memref<5000xi32, #tpu.memory_space<vmem>>)
      tpu.yield
    }) : () -> ()
    %barrier3A = arith.constant 0 : index
    tpu.barrier barrier_id(%barrier3A)
    %mul3A_7 = arith.constant 5000 : i32
    %mul3A_8 = arith.muli %add3A, %mul3A_7 : i32
    %scan3A = arith.constant 0 : i32
    %scan3A_9 = arith.constant 0 : i32
    %scan3A_10 = arith.constant 62 : i32
    %scan3A_11 = arith.addi %scan3A_9, %scan3A_10 : i32
    %scan3A_12 = arith.constant 1 : i32
    scf.for %scan3A_38 = %scan3A_9 to %scan3A_11 step %scan3A_12  : i32 {
      %mul3A_39 = arith.constant 2 : i32
      %mul3A_40 = arith.muli %scan3A_38, %mul3A_39 : i32
      %add3A_41 = arith.constant 0 : i32
      %add3A_42 = arith.addi %mul3A_40, %add3A_41 : i32
      %mul3A_43 = arith.constant 40 : i32
      %mul3A_44 = arith.muli %add3A_42, %mul3A_43 : i32
      %add3A_45 = arith.addi %mul3A_8, %mul3A_44 : i32
      %dma_start3A_46 = arith.constant 0 : i32
      %dma_start3A_47 = tpu.memref_slice %arg2[%add3A_45, %dma_start3A_46] : memref<160000x128xf32, #tpu.memory_space<hbm>> -> memref<40x128xf32, #tpu.memory_space<hbm>>
      %dma_start3A_48 = arith.constant 0 : i32
      %dma_start3A_49 = tpu.memref_slice %arg2[%add3A_45, %dma_start3A_48] : memref<160000x128xf32, #tpu.memory_space<hbm>> -> memref<40x128xf32, #tpu.memory_space<hbm>>
      tpu.enqueue_dma source(%dma_start3A_49 : memref<40x128xf32, #tpu.memory_space<hbm>>) target(%arg7 : memref<40x128xf32, #tpu.memory_space<vmem>>) target_semaphore(%arg10 : memref<!tpu.dma_semaphore, #tpu.memory_space<semaphore_mem>>)
      %mul3A_50 = arith.constant 2 : i32
      %mul3A_51 = arith.muli %scan3A_38, %mul3A_50 : i32
      %add3A_52 = arith.constant 1 : i32
      %add3A_53 = arith.addi %mul3A_51, %add3A_52 : i32
      %mul3A_54 = arith.constant 40 : i32
      %mul3A_55 = arith.muli %add3A_53, %mul3A_54 : i32
      %add3A_56 = arith.addi %mul3A_8, %mul3A_55 : i32
      %dma_start3A_57 = arith.constant 0 : i32
      %dma_start3A_58 = tpu.memref_slice %arg2[%add3A_56, %dma_start3A_57] : memref<160000x128xf32, #tpu.memory_space<hbm>> -> memref<40x128xf32, #tpu.memory_space<hbm>>
      %dma_start3A_59 = arith.constant 0 : i32
      %dma_start3A_60 = tpu.memref_slice %arg2[%add3A_56, %dma_start3A_59] : memref<160000x128xf32, #tpu.memory_space<hbm>> -> memref<40x128xf32, #tpu.memory_space<hbm>>
      tpu.enqueue_dma source(%dma_start3A_60 : memref<40x128xf32, #tpu.memory_space<hbm>>) target(%arg8 : memref<40x128xf32, #tpu.memory_space<vmem>>) target_semaphore(%arg10 : memref<!tpu.dma_semaphore, #tpu.memory_space<semaphore_mem>>)
      %mul3A_61 = arith.constant 2 : i32
      %mul3A_62 = arith.muli %scan3A_38, %mul3A_61 : i32
      %add3A_63 = arith.constant 0 : i32
      %add3A_64 = arith.addi %mul3A_62, %add3A_63 : i32
      %dma_wait3A_65 = arith.constant 0 : i32
      %dma_wait3A_66 = tpu.memref_slice %arg2[%add3A_45, %dma_wait3A_65] : memref<160000x128xf32, #tpu.memory_space<hbm>> -> memref<40x128xf32, #tpu.memory_space<hbm>>
      %dma_wait3A_67 = arith.constant 0 : i32
      %dma_wait3A_68 = tpu.memref_slice %arg2[%add3A_45, %dma_wait3A_67] : memref<160000x128xf32, #tpu.memory_space<hbm>> -> memref<40x128xf32, #tpu.memory_space<hbm>>
      tpu.wait_dma2 semaphore(%arg10 : memref<!tpu.dma_semaphore, #tpu.memory_space<semaphore_mem>>) src(%dma_wait3A_68 : memref<40x128xf32, #tpu.memory_space<hbm>>) dst(%arg7 : memref<40x128xf32, #tpu.memory_space<vmem>>)
      %mul3A_69 = arith.constant 40 : i32
      %mul3A_70 = arith.muli %add3A_64, %mul3A_69 : i32
      %dma_start3A_71 = tpu.memref_slice %arg6[%mul3A_70] : memref<5000xi32, #tpu.memory_space<vmem>> -> memref<40xi32, #tpu.memory_space<vmem>>
      %dma_start3A_72 = arith.constant 0 : i32
      %dma_start3A_73 = arith.constant 0 : i32
      %dma_start3A_74 = tpu.memref_slice %arg9[%dma_start3A_72, %dma_start3A_73] : memref<10000x128xf32, #tpu.memory_space<vmem_shared>> -> memref<10000x128xf32, #tpu.memory_space<vmem_shared>>
      tpu.enqueue_indirect_dma source(%arg7 : memref<40x128xf32, #tpu.memory_space<vmem>>) target(%dma_start3A_74 : memref<10000x128xf32, #tpu.memory_space<vmem_shared>>) offsets(%dma_start3A_71 : memref<40xi32, #tpu.memory_space<vmem>>) semaphore(%arg11 : memref<!tpu.dma_semaphore, #tpu.memory_space<semaphore_mem>>) {add = true}
      %mul3A_75 = arith.constant 2 : i32
      %mul3A_76 = arith.muli %scan3A_38, %mul3A_75 : i32
      %add3A_77 = arith.constant 1 : i32
      %add3A_78 = arith.addi %mul3A_76, %add3A_77 : i32
      %dma_wait3A_79 = arith.constant 0 : i32
      %dma_wait3A_80 = tpu.memref_slice %arg2[%add3A_56, %dma_wait3A_79] : memref<160000x128xf32, #tpu.memory_space<hbm>> -> memref<40x128xf32, #tpu.memory_space<hbm>>
      %dma_wait3A_81 = arith.constant 0 : i32
      %dma_wait3A_82 = tpu.memref_slice %arg2[%add3A_56, %dma_wait3A_81] : memref<160000x128xf32, #tpu.memory_space<hbm>> -> memref<40x128xf32, #tpu.memory_space<hbm>>
      tpu.wait_dma2 semaphore(%arg10 : memref<!tpu.dma_semaphore, #tpu.memory_space<semaphore_mem>>) src(%dma_wait3A_82 : memref<40x128xf32, #tpu.memory_space<hbm>>) dst(%arg8 : memref<40x128xf32, #tpu.memory_space<vmem>>)
      %mul3A_83 = arith.constant 40 : i32
      %mul3A_84 = arith.muli %add3A_78, %mul3A_83 : i32
      %dma_start3A_85 = tpu.memref_slice %arg6[%mul3A_84] : memref<5000xi32, #tpu.memory_space<vmem>> -> memref<40xi32, #tpu.memory_space<vmem>>
      %dma_start3A_86 = arith.constant 0 : i32
      %dma_start3A_87 = arith.constant 0 : i32
      %dma_start3A_88 = tpu.memref_slice %arg9[%dma_start3A_86, %dma_start3A_87] : memref<10000x128xf32, #tpu.memory_space<vmem_shared>> -> memref<10000x128xf32, #tpu.memory_space<vmem_shared>>
      tpu.enqueue_indirect_dma source(%arg8 : memref<40x128xf32, #tpu.memory_space<vmem>>) target(%dma_start3A_88 : memref<10000x128xf32, #tpu.memory_space<vmem_shared>>) offsets(%dma_start3A_85 : memref<40xi32, #tpu.memory_space<vmem>>) semaphore(%arg11 : memref<!tpu.dma_semaphore, #tpu.memory_space<semaphore_mem>>) {add = true}
      %dma_wait3A_89 = tpu.memref_slice %arg6[%mul3A_70] : memref<5000xi32, #tpu.memory_space<vmem>> -> memref<40xi32, #tpu.memory_space<vmem>>
      %dma_wait3A_90 = arith.constant 0 : i32
      %dma_wait3A_91 = arith.constant 0 : i32
      %dma_wait3A_92 = tpu.memref_slice %arg9[%dma_wait3A_90, %dma_wait3A_91] : memref<10000x128xf32, #tpu.memory_space<vmem_shared>> -> memref<10000x128xf32, #tpu.memory_space<vmem_shared>>
      tpu.wait_indirect_dma semaphore(%arg11 : memref<!tpu.dma_semaphore, #tpu.memory_space<semaphore_mem>>) src(%arg7 : memref<40x128xf32, #tpu.memory_space<vmem>>) dst(%dma_wait3A_92 : memref<10000x128xf32, #tpu.memory_space<vmem_shared>>)
      %dma_wait3A_93 = tpu.memref_slice %arg6[%mul3A_84] : memref<5000xi32, #tpu.memory_space<vmem>> -> memref<40xi32, #tpu.memory_space<vmem>>
      %dma_wait3A_94 = arith.constant 0 : i32
      %dma_wait3A_95 = arith.constant 0 : i32
      %dma_wait3A_96 = tpu.memref_slice %arg9[%dma_wait3A_94, %dma_wait3A_95] : memref<10000x128xf32, #tpu.memory_space<vmem_shared>> -> memref<10000x128xf32, #tpu.memory_space<vmem_shared>>
      tpu.wait_indirect_dma semaphore(%arg11 : memref<!tpu.dma_semaphore, #tpu.memory_space<semaphore_mem>>) src(%arg8 : memref<40x128xf32, #tpu.memory_space<vmem>>) dst(%dma_wait3A_96 : memref<10000x128xf32, #tpu.memory_space<vmem_shared>>)
    }
    %scan3A_13 = arith.constant 62 : i32
    %add3A_14 = arith.constant 4960 : i32
    %add3A_15 = arith.addi %mul3A_8, %add3A_14 : i32
    %dma_start3A = arith.constant 0 : i32
    %dma_start3A_16 = tpu.memref_slice %arg2[%add3A_15, %dma_start3A] : memref<160000x128xf32, #tpu.memory_space<hbm>> -> memref<40x128xf32, #tpu.memory_space<hbm>>
    %dma_start3A_17 = arith.constant 0 : i32
    %dma_start3A_18 = tpu.memref_slice %arg2[%add3A_15, %dma_start3A_17] : memref<160000x128xf32, #tpu.memory_space<hbm>> -> memref<40x128xf32, #tpu.memory_space<hbm>>
    tpu.enqueue_dma source(%dma_start3A_18 : memref<40x128xf32, #tpu.memory_space<hbm>>) target(%arg7 : memref<40x128xf32, #tpu.memory_space<vmem>>) target_semaphore(%arg10 : memref<!tpu.dma_semaphore, #tpu.memory_space<semaphore_mem>>)
    %dma_wait3A = arith.constant 0 : i32
    %dma_wait3A_19 = tpu.memref_slice %arg2[%add3A_15, %dma_wait3A] : memref<160000x128xf32, #tpu.memory_space<hbm>> -> memref<40x128xf32, #tpu.memory_space<hbm>>
    %dma_wait3A_20 = arith.constant 0 : i32
    %dma_wait3A_21 = tpu.memref_slice %arg2[%add3A_15, %dma_wait3A_20] : memref<160000x128xf32, #tpu.memory_space<hbm>> -> memref<40x128xf32, #tpu.memory_space<hbm>>
    tpu.wait_dma2 semaphore(%arg10 : memref<!tpu.dma_semaphore, #tpu.memory_space<semaphore_mem>>) src(%dma_wait3A_21 : memref<40x128xf32, #tpu.memory_space<hbm>>) dst(%arg7 : memref<40x128xf32, #tpu.memory_space<vmem>>)
    %dma_start3A_22 = arith.constant 4960 : i32
    %dma_start3A_23 = tpu.memref_slice %arg6[%dma_start3A_22] : memref<5000xi32, #tpu.memory_space<vmem>> -> memref<40xi32, #tpu.memory_space<vmem>>
    %dma_start3A_24 = arith.constant 0 : i32
    %dma_start3A_25 = arith.constant 0 : i32
    %dma_start3A_26 = tpu.memref_slice %arg9[%dma_start3A_24, %dma_start3A_25] : memref<10000x128xf32, #tpu.memory_space<vmem_shared>> -> memref<10000x128xf32, #tpu.memory_space<vmem_shared>>
    tpu.enqueue_indirect_dma source(%arg7 : memref<40x128xf32, #tpu.memory_space<vmem>>) target(%dma_start3A_26 : memref<10000x128xf32, #tpu.memory_space<vmem_shared>>) offsets(%dma_start3A_23 : memref<40xi32, #tpu.memory_space<vmem>>) semaphore(%arg11 : memref<!tpu.dma_semaphore, #tpu.memory_space<semaphore_mem>>) {add = true}
    %dma_wait3A_27 = arith.constant 4960 : i32
    %dma_wait3A_28 = tpu.memref_slice %arg6[%dma_wait3A_27] : memref<5000xi32, #tpu.memory_space<vmem>> -> memref<40xi32, #tpu.memory_space<vmem>>
    %dma_wait3A_29 = arith.constant 0 : i32
    %dma_wait3A_30 = arith.constant 0 : i32
    %dma_wait3A_31 = tpu.memref_slice %arg9[%dma_wait3A_29, %dma_wait3A_30] : memref<10000x128xf32, #tpu.memory_space<vmem_shared>> -> memref<10000x128xf32, #tpu.memory_space<vmem_shared>>
    tpu.wait_indirect_dma semaphore(%arg11 : memref<!tpu.dma_semaphore, #tpu.memory_space<semaphore_mem>>) src(%arg7 : memref<40x128xf32, #tpu.memory_space<vmem>>) dst(%dma_wait3A_31 : memref<10000x128xf32, #tpu.memory_space<vmem_shared>>)
    %barrier3A_32 = arith.constant 0 : index
    tpu.barrier barrier_id(%barrier3A_32)
    %eq3A_33 = arith.constant 0 : i32
    %eq3A_34 = arith.cmpi eq, %arg1, %eq3A_33 : i32
    %convert_element_type3A_35 = arith.extui %eq3A_34 : i1 to i32
    %cond3A_36 = arith.constant 0 : i32
    %cond3A_37 = arith.cmpi ne, %convert_element_type3A_35, %cond3A_36 : i32
    scf.if %cond3A_37 {
      "tpu.region"() ({
        %run_scoped3A = tpu.sem_alloc : memref<!tpu.dma_semaphore, #tpu.memory_space<semaphore_mem>>
        %dma_start3A_38 = arith.constant 0 : i32
        %dma_start3A_39 = arith.constant 0 : i32
        %dma_start3A_40 = tpu.memref_slice %arg5[%arg0, %dma_start3A_38, %dma_start3A_39] : memref<2x10000x128xf32, #tpu.memory_space<hbm>> -> memref<1x10000x128xf32, #tpu.memory_space<hbm>>
        %dma_start3A_41 = tpu.memref_squeeze %dma_start3A_40 : memref<1x10000x128xf32, #tpu.memory_space<hbm>> -> memref<10000x128xf32, #tpu.memory_space<hbm>>
        tpu.enqueue_dma source(%arg9 : memref<10000x128xf32, #tpu.memory_space<vmem_shared>>) target(%dma_start3A_41 : memref<10000x128xf32, #tpu.memory_space<hbm>>) target_semaphore(%run_scoped3A : memref<!tpu.dma_semaphore, #tpu.memory_space<semaphore_mem>>)
        %dma_wait3A_42 = arith.constant 0 : i32
        %dma_wait3A_43 = arith.constant 0 : i32
        %dma_wait3A_44 = tpu.memref_slice %arg5[%arg0, %dma_wait3A_42, %dma_wait3A_43] : memref<2x10000x128xf32, #tpu.memory_space<hbm>> -> memref<1x10000x128xf32, #tpu.memory_space<hbm>>
        %dma_wait3A_45 = tpu.memref_squeeze %dma_wait3A_44 : memref<1x10000x128xf32, #tpu.memory_space<hbm>> -> memref<10000x128xf32, #tpu.memory_space<hbm>>
        tpu.wait_dma2 semaphore(%run_scoped3A : memref<!tpu.dma_semaphore, #tpu.memory_space<semaphore_mem>>) src(%arg9 : memref<10000x128xf32, #tpu.memory_space<vmem_shared>>) dst(%dma_wait3A_45 : memref<10000x128xf32, #tpu.memory_space<hbm>>)
        tpu.yield
      }) : () -> ()
    } else {
    }
    return
  }
}

#map = affine_map<(d0, d1) -> (0, 0)>
#map1 = affine_map<(d0, d1) -> (0)>
#map2 = affine_map<(d0, d1) -> (0, 0, 0)>
module attributes {stable_mosaic.version = 14 : i64} {
  func.func @gather_kernel(%arg0: i32, %arg1: i32, %arg2: memref<10000x128xf32, #tpu.memory_space<hbm>>, %arg3: memref<10000x128xf32, #tpu.memory_space<hbm>>, %arg4: memref<640000xi32, #tpu.memory_space<hbm>>, %arg5: memref<2x160000x128xf32, #tpu.memory_space<hbm>>, %arg6: memref<10000xi32, #tpu.memory_space<vmem>>, %arg7: memref<80x128xf32, #tpu.memory_space<vmem>>, %arg8: memref<80x128xf32, #tpu.memory_space<vmem>>, %arg9: memref<10000x128xf32, #tpu.memory_space<vmem_shared>>, %arg10: memref<!tpu.dma_semaphore, #tpu.memory_space<semaphore_mem>>, %arg11: memref<!tpu.dma_semaphore, #tpu.memory_space<semaphore_mem>>) attributes {dimension_semantics = [#tpu.dimension_semantics<core_parallel>, #tpu.dimension_semantics<subcore_parallel>], iteration_bounds = array<i64: 2, 16>, scalar_prefetch = 0 : i64, scratch_operands = 6 : i64, tpu.core_type = #tpu.core_type<sc_vector_subcore>, window_params = [{transform_indices = #map}, {transform_indices = #map}, {transform_indices = #map1}, {transform_indices = #map2}]} {
    %eq3A = arith.constant 0 : i32
    %eq3A_0 = arith.cmpi eq, %arg1, %eq3A : i32
    %eq3A_1 = arith.constant 0 : i32
    %eq3A_2 = arith.cmpi eq, %arg0, %eq3A_1 : i32
    %and3A = arith.andi %eq3A_0, %eq3A_2 : i1
    %convert_element_type3A = arith.extui %and3A : i1 to i32
    %cond3A = arith.constant 0 : i32
    %cond3A_3 = arith.cmpi ne, %convert_element_type3A, %cond3A : i32
    scf.if %cond3A_3 {
      "tpu.region"() ({
        %run_scoped3A = tpu.sem_alloc : memref<!tpu.dma_semaphore, #tpu.memory_space<semaphore_mem>>
        tpu.enqueue_dma source(%arg2 : memref<10000x128xf32, #tpu.memory_space<hbm>>) target(%arg9 : memref<10000x128xf32, #tpu.memory_space<vmem_shared>>) target_semaphore(%run_scoped3A : memref<!tpu.dma_semaphore, #tpu.memory_space<semaphore_mem>>)
        tpu.wait_dma2 semaphore(%run_scoped3A : memref<!tpu.dma_semaphore, #tpu.memory_space<semaphore_mem>>) src(%arg2 : memref<10000x128xf32, #tpu.memory_space<hbm>>) dst(%arg9 : memref<10000x128xf32, #tpu.memory_space<vmem_shared>>)
        tpu.yield
      }) : () -> ()
    } else {
    }
    %eq3A_4 = arith.constant 0 : i32
    %eq3A_5 = arith.cmpi eq, %arg1, %eq3A_4 : i32
    %eq3A_6 = arith.constant 1 : i32
    %eq3A_7 = arith.cmpi eq, %arg0, %eq3A_6 : i32
    %and3A_8 = arith.andi %eq3A_5, %eq3A_7 : i1
    %convert_element_type3A_9 = arith.extui %and3A_8 : i1 to i32
    %cond3A_10 = arith.constant 0 : i32
    %cond3A_11 = arith.cmpi ne, %convert_element_type3A_9, %cond3A_10 : i32
    scf.if %cond3A_11 {
      "tpu.region"() ({
        %run_scoped3A = tpu.sem_alloc : memref<!tpu.dma_semaphore, #tpu.memory_space<semaphore_mem>>
        tpu.enqueue_dma source(%arg3 : memref<10000x128xf32, #tpu.memory_space<hbm>>) target(%arg9 : memref<10000x128xf32, #tpu.memory_space<vmem_shared>>) target_semaphore(%run_scoped3A : memref<!tpu.dma_semaphore, #tpu.memory_space<semaphore_mem>>)
        tpu.wait_dma2 semaphore(%run_scoped3A : memref<!tpu.dma_semaphore, #tpu.memory_space<semaphore_mem>>) src(%arg3 : memref<10000x128xf32, #tpu.memory_space<hbm>>) dst(%arg9 : memref<10000x128xf32, #tpu.memory_space<vmem_shared>>)
        tpu.yield
      }) : () -> ()
    } else {
    }
    %mul3A = arith.constant 320000 : i32
    %mul3A_12 = arith.muli %arg0, %mul3A : i32
    %add3A = arith.constant 0 : i32
    %add3A_13 = arith.addi %mul3A_12, %add3A : i32
    %mul3A_14 = arith.constant 10000 : i32
    %mul3A_15 = arith.muli %arg1, %mul3A_14 : i32
    %add3A_16 = arith.addi %add3A_13, %mul3A_15 : i32
    "tpu.region"() ({
      %run_scoped3A = tpu.sem_alloc : memref<!tpu.dma_semaphore, #tpu.memory_space<semaphore_mem>>
      %dma_start3A_46 = tpu.memref_slice %arg4[%add3A_16] : memref<640000xi32, #tpu.memory_space<hbm>> -> memref<10000xi32, #tpu.memory_space<hbm>>
      %dma_start3A_47 = tpu.memref_slice %arg4[%add3A_16] : memref<640000xi32, #tpu.memory_space<hbm>> -> memref<10000xi32, #tpu.memory_space<hbm>>
      tpu.enqueue_dma source(%dma_start3A_47 : memref<10000xi32, #tpu.memory_space<hbm>>) target(%arg6 : memref<10000xi32, #tpu.memory_space<vmem>>) target_semaphore(%run_scoped3A : memref<!tpu.dma_semaphore, #tpu.memory_space<semaphore_mem>>)
      %dma_wait3A_48 = tpu.memref_slice %arg4[%add3A_16] : memref<640000xi32, #tpu.memory_space<hbm>> -> memref<10000xi32, #tpu.memory_space<hbm>>
      %dma_wait3A_49 = tpu.memref_slice %arg4[%add3A_16] : memref<640000xi32, #tpu.memory_space<hbm>> -> memref<10000xi32, #tpu.memory_space<hbm>>
      tpu.wait_dma2 semaphore(%run_scoped3A : memref<!tpu.dma_semaphore, #tpu.memory_space<semaphore_mem>>) src(%dma_wait3A_49 : memref<10000xi32, #tpu.memory_space<hbm>>) dst(%arg6 : memref<10000xi32, #tpu.memory_space<vmem>>)
      tpu.yield
    }) : () -> ()
    %barrier3A = arith.constant 0 : index
    tpu.barrier barrier_id(%barrier3A)
    %mul3A_17 = arith.constant 10000 : i32
    %mul3A_18 = arith.muli %arg1, %mul3A_17 : i32
    %scan3A = arith.constant 0 : i32
    %scan3A_19 = arith.constant 0 : i32
    %scan3A_20 = arith.constant 62 : i32
    %scan3A_21 = arith.addi %scan3A_19, %scan3A_20 : i32
    %scan3A_22 = arith.constant 1 : i32
    scf.for %scan3A_46 = %scan3A_19 to %scan3A_21 step %scan3A_22  : i32 {
      %mul3A_47 = arith.constant 2 : i32
      %mul3A_48 = arith.muli %scan3A_46, %mul3A_47 : i32
      %add3A_49 = arith.constant 0 : i32
      %add3A_50 = arith.addi %mul3A_48, %add3A_49 : i32
      %mul3A_51 = arith.constant 80 : i32
      %mul3A_52 = arith.muli %add3A_50, %mul3A_51 : i32
      %dma_start3A_53 = tpu.memref_slice %arg6[%mul3A_52] : memref<10000xi32, #tpu.memory_space<vmem>> -> memref<80xi32, #tpu.memory_space<vmem>>
      %dma_start3A_54 = arith.constant 0 : i32
      %dma_start3A_55 = arith.constant 0 : i32
      %dma_start3A_56 = tpu.memref_slice %arg9[%dma_start3A_54, %dma_start3A_55] : memref<10000x128xf32, #tpu.memory_space<vmem_shared>> -> memref<10000x128xf32, #tpu.memory_space<vmem_shared>>
      tpu.enqueue_indirect_dma source(%dma_start3A_56 : memref<10000x128xf32, #tpu.memory_space<vmem_shared>>) target(%arg7 : memref<80x128xf32, #tpu.memory_space<vmem>>) offsets(%dma_start3A_53 : memref<80xi32, #tpu.memory_space<vmem>>) semaphore(%arg10 : memref<!tpu.dma_semaphore, #tpu.memory_space<semaphore_mem>>)
      %mul3A_57 = arith.constant 2 : i32
      %mul3A_58 = arith.muli %scan3A_46, %mul3A_57 : i32
      %add3A_59 = arith.constant 1 : i32
      %add3A_60 = arith.addi %mul3A_58, %add3A_59 : i32
      %mul3A_61 = arith.constant 80 : i32
      %mul3A_62 = arith.muli %add3A_60, %mul3A_61 : i32
      %dma_start3A_63 = tpu.memref_slice %arg6[%mul3A_62] : memref<10000xi32, #tpu.memory_space<vmem>> -> memref<80xi32, #tpu.memory_space<vmem>>
      %dma_start3A_64 = arith.constant 0 : i32
      %dma_start3A_65 = arith.constant 0 : i32
      %dma_start3A_66 = tpu.memref_slice %arg9[%dma_start3A_64, %dma_start3A_65] : memref<10000x128xf32, #tpu.memory_space<vmem_shared>> -> memref<10000x128xf32, #tpu.memory_space<vmem_shared>>
      tpu.enqueue_indirect_dma source(%dma_start3A_66 : memref<10000x128xf32, #tpu.memory_space<vmem_shared>>) target(%arg8 : memref<80x128xf32, #tpu.memory_space<vmem>>) offsets(%dma_start3A_63 : memref<80xi32, #tpu.memory_space<vmem>>) semaphore(%arg10 : memref<!tpu.dma_semaphore, #tpu.memory_space<semaphore_mem>>)
      %mul3A_67 = arith.constant 2 : i32
      %mul3A_68 = arith.muli %scan3A_46, %mul3A_67 : i32
      %add3A_69 = arith.constant 0 : i32
      %add3A_70 = arith.addi %mul3A_68, %add3A_69 : i32
      %mul3A_71 = arith.constant 80 : i32
      %mul3A_72 = arith.muli %add3A_70, %mul3A_71 : i32
      %add3A_73 = arith.addi %mul3A_18, %mul3A_72 : i32
      %dma_wait3A_74 = tpu.memref_slice %arg6[%mul3A_52] : memref<10000xi32, #tpu.memory_space<vmem>> -> memref<80xi32, #tpu.memory_space<vmem>>
      %dma_wait3A_75 = arith.constant 0 : i32
      %dma_wait3A_76 = arith.constant 0 : i32
      %dma_wait3A_77 = tpu.memref_slice %arg9[%dma_wait3A_75, %dma_wait3A_76] : memref<10000x128xf32, #tpu.memory_space<vmem_shared>> -> memref<10000x128xf32, #tpu.memory_space<vmem_shared>>
      tpu.wait_indirect_dma semaphore(%arg10 : memref<!tpu.dma_semaphore, #tpu.memory_space<semaphore_mem>>) src(%dma_wait3A_77 : memref<10000x128xf32, #tpu.memory_space<vmem_shared>>) dst(%arg7 : memref<80x128xf32, #tpu.memory_space<vmem>>)
      %dma_start3A_78 = arith.constant 0 : i32
      %dma_start3A_79 = tpu.memref_slice %arg5[%arg0, %add3A_73, %dma_start3A_78] : memref<2x160000x128xf32, #tpu.memory_space<hbm>> -> memref<1x80x128xf32, #tpu.memory_space<hbm>>
      %dma_start3A_80 = tpu.memref_squeeze %dma_start3A_79 : memref<1x80x128xf32, #tpu.memory_space<hbm>> -> memref<80x128xf32, #tpu.memory_space<hbm>>
      %dma_start3A_81 = arith.constant 0 : i32
      %dma_start3A_82 = tpu.memref_slice %arg5[%arg0, %add3A_73, %dma_start3A_81] : memref<2x160000x128xf32, #tpu.memory_space<hbm>> -> memref<1x80x128xf32, #tpu.memory_space<hbm>>
      %dma_start3A_83 = tpu.memref_squeeze %dma_start3A_82 : memref<1x80x128xf32, #tpu.memory_space<hbm>> -> memref<80x128xf32, #tpu.memory_space<hbm>>
      tpu.enqueue_dma source(%arg7 : memref<80x128xf32, #tpu.memory_space<vmem>>) target(%dma_start3A_83 : memref<80x128xf32, #tpu.memory_space<hbm>>) target_semaphore(%arg11 : memref<!tpu.dma_semaphore, #tpu.memory_space<semaphore_mem>>)
      %mul3A_84 = arith.constant 2 : i32
      %mul3A_85 = arith.muli %scan3A_46, %mul3A_84 : i32
      %add3A_86 = arith.constant 1 : i32
      %add3A_87 = arith.addi %mul3A_85, %add3A_86 : i32
      %mul3A_88 = arith.constant 80 : i32
      %mul3A_89 = arith.muli %add3A_87, %mul3A_88 : i32
      %add3A_90 = arith.addi %mul3A_18, %mul3A_89 : i32
      %dma_wait3A_91 = tpu.memref_slice %arg6[%mul3A_62] : memref<10000xi32, #tpu.memory_space<vmem>> -> memref<80xi32, #tpu.memory_space<vmem>>
      %dma_wait3A_92 = arith.constant 0 : i32
      %dma_wait3A_93 = arith.constant 0 : i32
      %dma_wait3A_94 = tpu.memref_slice %arg9[%dma_wait3A_92, %dma_wait3A_93] : memref<10000x128xf32, #tpu.memory_space<vmem_shared>> -> memref<10000x128xf32, #tpu.memory_space<vmem_shared>>
      tpu.wait_indirect_dma semaphore(%arg10 : memref<!tpu.dma_semaphore, #tpu.memory_space<semaphore_mem>>) src(%dma_wait3A_94 : memref<10000x128xf32, #tpu.memory_space<vmem_shared>>) dst(%arg8 : memref<80x128xf32, #tpu.memory_space<vmem>>)
      %dma_start3A_95 = arith.constant 0 : i32
      %dma_start3A_96 = tpu.memref_slice %arg5[%arg0, %add3A_90, %dma_start3A_95] : memref<2x160000x128xf32, #tpu.memory_space<hbm>> -> memref<1x80x128xf32, #tpu.memory_space<hbm>>
      %dma_start3A_97 = tpu.memref_squeeze %dma_start3A_96 : memref<1x80x128xf32, #tpu.memory_space<hbm>> -> memref<80x128xf32, #tpu.memory_space<hbm>>
      %dma_start3A_98 = arith.constant 0 : i32
      %dma_start3A_99 = tpu.memref_slice %arg5[%arg0, %add3A_90, %dma_start3A_98] : memref<2x160000x128xf32, #tpu.memory_space<hbm>> -> memref<1x80x128xf32, #tpu.memory_space<hbm>>
      %dma_start3A_100 = tpu.memref_squeeze %dma_start3A_99 : memref<1x80x128xf32, #tpu.memory_space<hbm>> -> memref<80x128xf32, #tpu.memory_space<hbm>>
      tpu.enqueue_dma source(%arg8 : memref<80x128xf32, #tpu.memory_space<vmem>>) target(%dma_start3A_100 : memref<80x128xf32, #tpu.memory_space<hbm>>) target_semaphore(%arg11 : memref<!tpu.dma_semaphore, #tpu.memory_space<semaphore_mem>>)
      %dma_wait3A_101 = arith.constant 0 : i32
      %dma_wait3A_102 = tpu.memref_slice %arg5[%arg0, %add3A_73, %dma_wait3A_101] : memref<2x160000x128xf32, #tpu.memory_space<hbm>> -> memref<1x80x128xf32, #tpu.memory_space<hbm>>
      %dma_wait3A_103 = tpu.memref_squeeze %dma_wait3A_102 : memref<1x80x128xf32, #tpu.memory_space<hbm>> -> memref<80x128xf32, #tpu.memory_space<hbm>>
      %dma_wait3A_104 = arith.constant 0 : i32
      %dma_wait3A_105 = tpu.memref_slice %arg5[%arg0, %add3A_73, %dma_wait3A_104] : memref<2x160000x128xf32, #tpu.memory_space<hbm>> -> memref<1x80x128xf32, #tpu.memory_space<hbm>>
      %dma_wait3A_106 = tpu.memref_squeeze %dma_wait3A_105 : memref<1x80x128xf32, #tpu.memory_space<hbm>> -> memref<80x128xf32, #tpu.memory_space<hbm>>
      tpu.wait_dma2 semaphore(%arg11 : memref<!tpu.dma_semaphore, #tpu.memory_space<semaphore_mem>>) src(%arg7 : memref<80x128xf32, #tpu.memory_space<vmem>>) dst(%dma_wait3A_106 : memref<80x128xf32, #tpu.memory_space<hbm>>)
      %dma_wait3A_107 = arith.constant 0 : i32
      %dma_wait3A_108 = tpu.memref_slice %arg5[%arg0, %add3A_90, %dma_wait3A_107] : memref<2x160000x128xf32, #tpu.memory_space<hbm>> -> memref<1x80x128xf32, #tpu.memory_space<hbm>>
      %dma_wait3A_109 = tpu.memref_squeeze %dma_wait3A_108 : memref<1x80x128xf32, #tpu.memory_space<hbm>> -> memref<80x128xf32, #tpu.memory_space<hbm>>
      %dma_wait3A_110 = arith.constant 0 : i32
      %dma_wait3A_111 = tpu.memref_slice %arg5[%arg0, %add3A_90, %dma_wait3A_110] : memref<2x160000x128xf32, #tpu.memory_space<hbm>> -> memref<1x80x128xf32, #tpu.memory_space<hbm>>
      %dma_wait3A_112 = tpu.memref_squeeze %dma_wait3A_111 : memref<1x80x128xf32, #tpu.memory_space<hbm>> -> memref<80x128xf32, #tpu.memory_space<hbm>>
      tpu.wait_dma2 semaphore(%arg11 : memref<!tpu.dma_semaphore, #tpu.memory_space<semaphore_mem>>) src(%arg8 : memref<80x128xf32, #tpu.memory_space<vmem>>) dst(%dma_wait3A_112 : memref<80x128xf32, #tpu.memory_space<hbm>>)
    }
    %scan3A_23 = arith.constant 62 : i32
    %dma_start3A = arith.constant 9920 : i32
    %dma_start3A_24 = tpu.memref_slice %arg6[%dma_start3A] : memref<10000xi32, #tpu.memory_space<vmem>> -> memref<80xi32, #tpu.memory_space<vmem>>
    %dma_start3A_25 = arith.constant 0 : i32
    %dma_start3A_26 = arith.constant 0 : i32
    %dma_start3A_27 = tpu.memref_slice %arg9[%dma_start3A_25, %dma_start3A_26] : memref<10000x128xf32, #tpu.memory_space<vmem_shared>> -> memref<10000x128xf32, #tpu.memory_space<vmem_shared>>
    tpu.enqueue_indirect_dma source(%dma_start3A_27 : memref<10000x128xf32, #tpu.memory_space<vmem_shared>>) target(%arg7 : memref<80x128xf32, #tpu.memory_space<vmem>>) offsets(%dma_start3A_24 : memref<80xi32, #tpu.memory_space<vmem>>) semaphore(%arg10 : memref<!tpu.dma_semaphore, #tpu.memory_space<semaphore_mem>>)
    %add3A_28 = arith.constant 9920 : i32
    %add3A_29 = arith.addi %mul3A_18, %add3A_28 : i32
    %dma_wait3A = arith.constant 9920 : i32
    %dma_wait3A_30 = tpu.memref_slice %arg6[%dma_wait3A] : memref<10000xi32, #tpu.memory_space<vmem>> -> memref<80xi32, #tpu.memory_space<vmem>>
    %dma_wait3A_31 = arith.constant 0 : i32
    %dma_wait3A_32 = arith.constant 0 : i32
    %dma_wait3A_33 = tpu.memref_slice %arg9[%dma_wait3A_31, %dma_wait3A_32] : memref<10000x128xf32, #tpu.memory_space<vmem_shared>> -> memref<10000x128xf32, #tpu.memory_space<vmem_shared>>
    tpu.wait_indirect_dma semaphore(%arg10 : memref<!tpu.dma_semaphore, #tpu.memory_space<semaphore_mem>>) src(%dma_wait3A_33 : memref<10000x128xf32, #tpu.memory_space<vmem_shared>>) dst(%arg7 : memref<80x128xf32, #tpu.memory_space<vmem>>)
    %dma_start3A_34 = arith.constant 0 : i32
    %dma_start3A_35 = tpu.memref_slice %arg5[%arg0, %add3A_29, %dma_start3A_34] : memref<2x160000x128xf32, #tpu.memory_space<hbm>> -> memref<1x80x128xf32, #tpu.memory_space<hbm>>
    %dma_start3A_36 = tpu.memref_squeeze %dma_start3A_35 : memref<1x80x128xf32, #tpu.memory_space<hbm>> -> memref<80x128xf32, #tpu.memory_space<hbm>>
    %dma_start3A_37 = arith.constant 0 : i32
    %dma_start3A_38 = tpu.memref_slice %arg5[%arg0, %add3A_29, %dma_start3A_37] : memref<2x160000x128xf32, #tpu.memory_space<hbm>> -> memref<1x80x128xf32, #tpu.memory_space<hbm>>
    %dma_start3A_39 = tpu.memref_squeeze %dma_start3A_38 : memref<1x80x128xf32, #tpu.memory_space<hbm>> -> memref<80x128xf32, #tpu.memory_space<hbm>>
    tpu.enqueue_dma source(%arg7 : memref<80x128xf32, #tpu.memory_space<vmem>>) target(%dma_start3A_39 : memref<80x128xf32, #tpu.memory_space<hbm>>) target_semaphore(%arg11 : memref<!tpu.dma_semaphore, #tpu.memory_space<semaphore_mem>>)
    %dma_wait3A_40 = arith.constant 0 : i32
    %dma_wait3A_41 = tpu.memref_slice %arg5[%arg0, %add3A_29, %dma_wait3A_40] : memref<2x160000x128xf32, #tpu.memory_space<hbm>> -> memref<1x80x128xf32, #tpu.memory_space<hbm>>
    %dma_wait3A_42 = tpu.memref_squeeze %dma_wait3A_41 : memref<1x80x128xf32, #tpu.memory_space<hbm>> -> memref<80x128xf32, #tpu.memory_space<hbm>>
    %dma_wait3A_43 = arith.constant 0 : i32
    %dma_wait3A_44 = tpu.memref_slice %arg5[%arg0, %add3A_29, %dma_wait3A_43] : memref<2x160000x128xf32, #tpu.memory_space<hbm>> -> memref<1x80x128xf32, #tpu.memory_space<hbm>>
    %dma_wait3A_45 = tpu.memref_squeeze %dma_wait3A_44 : memref<1x80x128xf32, #tpu.memory_space<hbm>> -> memref<80x128xf32, #tpu.memory_space<hbm>>
    tpu.wait_dma2 semaphore(%arg11 : memref<!tpu.dma_semaphore, #tpu.memory_space<semaphore_mem>>) src(%arg7 : memref<80x128xf32, #tpu.memory_space<vmem>>) dst(%dma_wait3A_45 : memref<80x128xf32, #tpu.memory_space<hbm>>)
    return
  }
}

module attributes {stable_mosaic.version = 14 : i64} {
  func.func @body(%arg0: i32, %arg1: memref<16x16000xf32, #tpu.memory_space<vmem>>, %arg2: memref<16000x16xf32, #tpu.memory_space<vmem>>) attributes {dimension_semantics = [#tpu.dimension_semantics<arbitrary>], iteration_bounds = array<i64: 20>, scalar_prefetch = 0 : i64, scratch_operands = 0 : i64, tpu.core_type = #tpu.core_type<tc>, window_params = [{transform_indices = @transform_0, window_bounds = array<i64: 16, 16000>}, {transform_indices = @transform_1, window_bounds = array<i64: 16000, 16>}]} {
    %get3A = arith.constant 0 : index
    %get3A_0 = arith.constant 0 : index
    %get3A_1 = vector.load %arg1[%get3A, %get3A_0] : memref<16x16000xf32, #tpu.memory_space<vmem>>, vector<16x16000xf32>
    %transpose3A = tpu.transpose %get3A_1, [1, 0] : vector<16x16000xf32> -> vector<16000x16xf32>
    %swap3A = arith.constant 0 : index
    %swap3A_2 = arith.constant 0 : index
    %swap3A_3 = vector.load %arg2[%swap3A, %swap3A_2] : memref<16000x16xf32, #tpu.memory_space<vmem>>, vector<16000x16xf32>
    tpu.vector_store %arg2[%swap3A, %swap3A_2], %transpose3A {strides = array<i32>} : memref<16000x16xf32, #tpu.memory_space<vmem>>, vector<16000x16xf32>,
    return
  }
  func.func @transform_0(%arg0: i32) -> (i32, i32) {
    %c0_i32 = arith.constant 0 : i32
    %c0_i32_0 = arith.constant 0 : i32
    return %c0_i32, %arg0 : i32, i32
  }
  func.func @transform_1(%arg0: i32) -> (i32, i32) {
    %c0_i32 = arith.constant 0 : i32
    %c0_i32_0 = arith.constant 0 : i32
    return %arg0, %c0_i32 : i32, i32
  }
}

module attributes {stable_mosaic.version = 14 : i64} {
  func.func @body(%arg0: i32, %arg1: memref<2000x128xf32, #tpu.memory_space<vmem>>, %arg2: memref<128x128xf32, #tpu.memory_space<vmem>>, %arg3: memref<128x128xf32, #tpu.memory_space<vmem>>, %arg4: memref<1x128xf32, #tpu.memory_space<vmem>>, %arg5: memref<2000x128xf32, #tpu.memory_space<vmem>>, %arg6: memref<2000x128xf32, #tpu.memory_space<vmem>>) attributes {dimension_semantics = [#tpu.dimension_semantics<arbitrary>], iteration_bounds = array<i64: 5>, scalar_prefetch = 0 : i64, scratch_operands = 0 : i64, tpu.core_type = #tpu.core_type<tc>, window_params = [{transform_indices = @transform_0, window_bounds = array<i64: 2000, 128>}, {pipeline_mode = #tpu.pipeline_mode<synchronous>, transform_indices = @transform_1, window_bounds = array<i64: 128, 128>}, {pipeline_mode = #tpu.pipeline_mode<synchronous>, transform_indices = @transform_2, window_bounds = array<i64: 128, 128>}, {pipeline_mode = #tpu.pipeline_mode<synchronous>, transform_indices = @transform_3, window_bounds = array<i64: 1, 128>}, {transform_indices = @transform_4, window_bounds = array<i64: 2000, 128>}, {transform_indices = @transform_5, window_bounds = array<i64: 2000, 128>}]} {
    %get3A = arith.constant 0 : index
    %get3A_0 = arith.constant 0 : index
    %get3A_1 = vector.load %arg1[%get3A, %get3A_0] : memref<2000x128xf32, #tpu.memory_space<vmem>>, vector<2000x128xf32>
    %get3A_2 = arith.constant 0 : index
    %get3A_3 = arith.constant 0 : index
    %get3A_4 = vector.load %arg2[%get3A_2, %get3A_3] : memref<128x128xf32, #tpu.memory_space<vmem>>, vector<128x128xf32>
    %dot_general3A = arith.constant dense<0.000000e+00> : vector<2000x128xf32>
    %dot_general3A_5 = tpu.matmul %get3A_1, %get3A_4, %dot_general3A {dimension_numbers = #tpu.dot_dimension_numbers<[1], [0], [0], [1], [0, 0, 1, 1], [], []>, transpose_lhs_hint = false} : vector<2000x128xf32>, vector<128x128xf32>, vector<2000x128xf32> -> vector<2000x128xf32>
    %get3A_6 = arith.constant 0 : index
    %get3A_7 = arith.constant 0 : index
    %get3A_8 = vector.load %arg4[%get3A_6, %get3A_7] : memref<1x128xf32, #tpu.memory_space<vmem>>, vector<1x128xf32>
    %add3A = vector.broadcast %get3A_8 : vector<1x128xf32> to vector<2000x128xf32>
    %add3A_9 = arith.addf %dot_general3A_5, %add3A : vector<2000x128xf32>
    %swap3A = arith.constant 0 : index
    %swap3A_10 = arith.constant 0 : index
    %swap3A_11 = vector.load %arg5[%swap3A, %swap3A_10] : memref<2000x128xf32, #tpu.memory_space<vmem>>, vector<2000x128xf32>
    tpu.vector_store %arg5[%swap3A, %swap3A_10], %add3A_9 {strides = array<i32>} : memref<2000x128xf32, #tpu.memory_space<vmem>>, vector<2000x128xf32>,
    %get3A_12 = arith.constant 0 : index
    %get3A_13 = arith.constant 0 : index
    %get3A_14 = vector.load %arg3[%get3A_12, %get3A_13] : memref<128x128xf32, #tpu.memory_space<vmem>>, vector<128x128xf32>
    %dot_general3A_15 = arith.constant dense<0.000000e+00> : vector<2000x128xf32>
    %dot_general3A_16 = tpu.matmul %get3A_1, %get3A_14, %dot_general3A_15 {dimension_numbers = #tpu.dot_dimension_numbers<[1], [0], [0], [1], [0, 0, 1, 1], [], []>, transpose_lhs_hint = false} : vector<2000x128xf32>, vector<128x128xf32>, vector<2000x128xf32> -> vector<2000x128xf32>
    %swap3A_17 = arith.constant 0 : index
    %swap3A_18 = arith.constant 0 : index
    %swap3A_19 = vector.load %arg6[%swap3A_17, %swap3A_18] : memref<2000x128xf32, #tpu.memory_space<vmem>>, vector<2000x128xf32>
    tpu.vector_store %arg6[%swap3A_17, %swap3A_18], %dot_general3A_16 {strides = array<i32>} : memref<2000x128xf32, #tpu.memory_space<vmem>>, vector<2000x128xf32>,
    return
  }
  func.func @transform_0(%arg0: i32) -> (i32, i32) {
    %c0_i32 = arith.constant 0 : i32
    %c0_i32_0 = arith.constant 0 : i32
    return %arg0, %c0_i32 : i32, i32
  }
  func.func @transform_1(%arg0: i32) -> (i32, i32) {
    %c0_i32 = arith.constant 0 : i32
    %c0_i32_0 = arith.constant 0 : i32
    %c0_i32_1 = arith.constant 0 : i32
    return %c0_i32, %c0_i32_0 : i32, i32
  }
  func.func @transform_2(%arg0: i32) -> (i32, i32) {
    %c0_i32 = arith.constant 0 : i32
    %c0_i32_0 = arith.constant 0 : i32
    %c0_i32_1 = arith.constant 0 : i32
    return %c0_i32, %c0_i32_0 : i32, i32
  }
  func.func @transform_3(%arg0: i32) -> (i32, i32) {
    %c0_i32 = arith.constant 0 : i32
    %c0_i32_0 = arith.constant 0 : i32
    %c0_i32_1 = arith.constant 0 : i32
    return %c0_i32, %c0_i32_0 : i32, i32
  }
  func.func @transform_4(%arg0: i32) -> (i32, i32) {
    %c0_i32 = arith.constant 0 : i32
    %c0_i32_0 = arith.constant 0 : i32
    return %arg0, %c0_i32 : i32, i32
  }
  func.func @transform_5(%arg0: i32) -> (i32, i32) {
    %c0_i32 = arith.constant 0 : i32
    %c0_i32_0 = arith.constant 0 : i32
    return %arg0, %c0_i32 : i32, i32
  }
}

module attributes {stable_mosaic.version = 14 : i64} {
  func.func @body(%arg0: i32, %arg1: memref<2x8000x128xf32, #tpu.memory_space<vmem>>, %arg2: memref<8000x16xf32, #tpu.memory_space<vmem>>, %arg3: memref<16x128xf32, #tpu.memory_space<vmem>>, %arg4: memref<8000x128xbf16, #tpu.memory_space<vmem>>, %arg5: memref<8x128xf32, #tpu.memory_space<vmem>>, %arg6: memref<8x128xf32, #tpu.memory_space<vmem>>) attributes {dimension_semantics = [#tpu.dimension_semantics<arbitrary>], iteration_bounds = array<i64: 20>, scalar_prefetch = 0 : i64, scratch_operands = 0 : i64, tpu.core_type = #tpu.core_type<tc>, window_params = [{transform_indices = @transform_0, window_bounds = array<i64: 2, 8000, 128>}, {transform_indices = @transform_1, window_bounds = array<i64: 8000, 16>}, {pipeline_mode = #tpu.pipeline_mode<synchronous>, transform_indices = @transform_2, window_bounds = array<i64: 16, 128>}, {transform_indices = @transform_3, window_bounds = array<i64: 8000, 128>}, {pipeline_mode = #tpu.pipeline_mode<synchronous>, transform_indices = @transform_4, window_bounds = array<i64: 8, 128>}, {pipeline_mode = #tpu.pipeline_mode<synchronous>, transform_indices = @transform_5, window_bounds = array<i64: 8, 128>}]} {
    %get3A = arith.constant 0 : index
    %get3A_0 = arith.constant 0 : index
    %get3A_1 = arith.constant 0 : index
    %get3A_2 = vector.load %arg1[%get3A, %get3A_0, %get3A_1] : memref<2x8000x128xf32, #tpu.memory_space<vmem>>, vector<1x8000x128xf32>
    %get3A_3 = vector.shape_cast %get3A_2 : vector<1x8000x128xf32> to vector<8000x128xf32>
    %get3A_4 = arith.constant 1 : index
    %get3A_5 = arith.constant 0 : index
    %get3A_6 = arith.constant 0 : index
    %get3A_7 = vector.load %arg1[%get3A_4, %get3A_5, %get3A_6] : memref<2x8000x128xf32, #tpu.memory_space<vmem>>, vector<1x8000x128xf32>
    %get3A_8 = vector.shape_cast %get3A_7 : vector<1x8000x128xf32> to vector<8000x128xf32>
    %add3A = arith.addf %get3A_3, %get3A_8 : vector<8000x128xf32>
    %get3A_9 = arith.constant 0 : index
    %get3A_10 = arith.constant 0 : index
    %get3A_11 = vector.load %arg2[%get3A_9, %get3A_10] : memref<8000x16xf32, #tpu.memory_space<vmem>>, vector<8000x16xf32>
    %get3A_12 = arith.constant 0 : index
    %get3A_13 = arith.constant 0 : index
    %get3A_14 = vector.load %arg3[%get3A_12, %get3A_13] : memref<16x128xf32, #tpu.memory_space<vmem>>, vector<16x128xf32>
    %dot_general3A = arith.constant dense<0.000000e+00> : vector<8000x128xf32>
    %dot_general3A_15 = tpu.matmul %get3A_11, %get3A_14, %dot_general3A {dimension_numbers = #tpu.dot_dimension_numbers<[1], [0], [0], [1], [0, 0, 1, 1], [], []>, transpose_lhs_hint = false} : vector<8000x16xf32>, vector<16x128xf32>, vector<8000x128xf32> -> vector<8000x128xf32>
    %add3A_16 = arith.addf %add3A, %dot_general3A_15 : vector<8000x128xf32>
    %convert_element_type3A = arith.truncf %add3A_16 : vector<8000x128xf32> to vector<8000x128xbf16>
    %swap3A = arith.constant 0 : index
    %swap3A_17 = arith.constant 0 : index
    %swap3A_18 = vector.load %arg4[%swap3A, %swap3A_17] : memref<8000x128xbf16, #tpu.memory_space<vmem>>, vector<8000x128xbf16>
    tpu.vector_store %arg4[%swap3A, %swap3A_17], %convert_element_type3A {strides = array<i32>} : memref<8000x128xbf16, #tpu.memory_space<vmem>>, vector<8000x128xbf16>,
    %reshape3A = vector.shape_cast %add3A_16 : vector<8000x128xf32> to vector<1000x8x128xf32>
    %eq3A = arith.constant 0 : i32
    %eq3A_19 = arith.cmpi eq, %arg0, %eq3A : i32
    %convert_element_type3A_20 = arith.extui %eq3A_19 : i1 to i32
    %cond3A = arith.constant 0 : i32
    %cond3A_21 = arith.cmpi ne, %convert_element_type3A_20, %cond3A : i32
    scf.if %cond3A_21 {
      %broadcast_in_dim3A = arith.constant 0.000000e+00 : f32
      %broadcast_in_dim3A_39 = vector.broadcast %broadcast_in_dim3A : f32 to vector<8x128xf32>
      %swap3A_40 = arith.constant 0 : index
      %swap3A_41 = arith.constant 0 : index
      %swap3A_42 = vector.load %arg5[%swap3A_40, %swap3A_41] : memref<8x128xf32, #tpu.memory_space<vmem>>, vector<8x128xf32>
      tpu.vector_store %arg5[%swap3A_40, %swap3A_41], %broadcast_in_dim3A_39 {strides = array<i32>} : memref<8x128xf32, #tpu.memory_space<vmem>>, vector<8x128xf32>,
      %broadcast_in_dim3A_43 = arith.constant 0.000000e+00 : f32
      %broadcast_in_dim3A_44 = vector.broadcast %broadcast_in_dim3A_43 : f32 to vector<8x128xf32>
      %swap3A_45 = arith.constant 0 : index
      %swap3A_46 = arith.constant 0 : index
      %swap3A_47 = vector.load %arg6[%swap3A_45, %swap3A_46] : memref<8x128xf32, #tpu.memory_space<vmem>>, vector<8x128xf32>
      tpu.vector_store %arg6[%swap3A_45, %swap3A_46], %broadcast_in_dim3A_44 {strides = array<i32>} : memref<8x128xf32, #tpu.memory_space<vmem>>, vector<8x128xf32>,
    } else {
    }
    %get3A_22 = arith.constant 0 : index
    %get3A_23 = arith.constant 0 : index
    %get3A_24 = vector.load %arg5[%get3A_22, %get3A_23] : memref<8x128xf32, #tpu.memory_space<vmem>>, vector<8x128xf32>
    %reduce_sum3A = arith.constant dense<0.000000e+00> : vector<8x128xf32>
    %reduce_sum3A_25 = vector.multi_reduction <add>, %reshape3A, %reduce_sum3A [0] : vector<1000x8x128xf32> to vector<8x128xf32>
    %add3A_26 = arith.addf %get3A_24, %reduce_sum3A_25 : vector<8x128xf32>
    %swap3A_27 = arith.constant 0 : index
    %swap3A_28 = arith.constant 0 : index
    %swap3A_29 = vector.load %arg5[%swap3A_27, %swap3A_28] : memref<8x128xf32, #tpu.memory_space<vmem>>, vector<8x128xf32>
    tpu.vector_store %arg5[%swap3A_27, %swap3A_28], %add3A_26 {strides = array<i32>} : memref<8x128xf32, #tpu.memory_space<vmem>>, vector<8x128xf32>,
    %get3A_30 = arith.constant 0 : index
    %get3A_31 = arith.constant 0 : index
    %get3A_32 = vector.load %arg6[%get3A_30, %get3A_31] : memref<8x128xf32, #tpu.memory_space<vmem>>, vector<8x128xf32>
    %mul3A = arith.mulf %reshape3A, %reshape3A : vector<1000x8x128xf32>
    %reduce_sum3A_33 = arith.constant dense<0.000000e+00> : vector<8x128xf32>
    %reduce_sum3A_34 = vector.multi_reduction <add>, %mul3A, %reduce_sum3A_33 [0] : vector<1000x8x128xf32> to vector<8x128xf32>
    %add3A_35 = arith.addf %get3A_32, %reduce_sum3A_34 : vector<8x128xf32>
    %swap3A_36 = arith.constant 0 : index
    %swap3A_37 = arith.constant 0 : index
    %swap3A_38 = vector.load %arg6[%swap3A_36, %swap3A_37] : memref<8x128xf32, #tpu.memory_space<vmem>>, vector<8x128xf32>
    tpu.vector_store %arg6[%swap3A_36, %swap3A_37], %add3A_35 {strides = array<i32>} : memref<8x128xf32, #tpu.memory_space<vmem>>, vector<8x128xf32>,
    return
  }
  func.func @transform_0(%arg0: i32) -> (i32, i32, i32) {
    %c0_i32 = arith.constant 0 : i32
    %c0_i32_0 = arith.constant 0 : i32
    %c0_i32_1 = arith.constant 0 : i32
    return %c0_i32, %arg0, %c0_i32_0 : i32, i32, i32
  }
  func.func @transform_1(%arg0: i32) -> (i32, i32) {
    %add3A = arith.constant 20 : i32
    %add3A_0 = arith.addi %add3A, %arg0 : i32
    %c0_i32 = arith.constant 0 : i32
    %c0_i32_1 = arith.constant 0 : i32
    return %add3A_0, %c0_i32 : i32, i32
  }
  func.func @transform_2(%arg0: i32) -> (i32, i32) {
    %c0_i32 = arith.constant 0 : i32
    %c0_i32_0 = arith.constant 0 : i32
    %c0_i32_1 = arith.constant 0 : i32
    return %c0_i32, %c0_i32_0 : i32, i32
  }
  func.func @transform_3(%arg0: i32) -> (i32, i32) {
    %c0_i32 = arith.constant 0 : i32
    %c0_i32_0 = arith.constant 0 : i32
    return %arg0, %c0_i32 : i32, i32
  }
  func.func @transform_4(%arg0: i32) -> (i32, i32) {
    %c0_i32 = arith.constant 0 : i32
    %c0_i32_0 = arith.constant 0 : i32
    %c0_i32_1 = arith.constant 0 : i32
    return %c0_i32, %c0_i32_0 : i32, i32
  }
  func.func @transform_5(%arg0: i32) -> (i32, i32) {
    %c0_i32 = arith.constant 0 : i32
    %c0_i32_0 = arith.constant 0 : i32
    %c0_i32_1 = arith.constant 0 : i32
    return %c0_i32, %c0_i32_0 : i32, i32
  }
}

module attributes {stable_mosaic.version = 14 : i64} {
  func.func @body(%arg0: i32, %arg1: memref<2x8000x128xf32, #tpu.memory_space<vmem>>, %arg2: memref<8000x16xf32, #tpu.memory_space<vmem>>, %arg3: memref<16x128xf32, #tpu.memory_space<vmem>>, %arg4: memref<8000x128xbf16, #tpu.memory_space<vmem>>, %arg5: memref<8x128xf32, #tpu.memory_space<vmem>>, %arg6: memref<8x128xf32, #tpu.memory_space<vmem>>) attributes {dimension_semantics = [#tpu.dimension_semantics<arbitrary>], iteration_bounds = array<i64: 20>, scalar_prefetch = 0 : i64, scratch_operands = 0 : i64, tpu.core_type = #tpu.core_type<tc>, window_params = [{transform_indices = @transform_0, window_bounds = array<i64: 2, 8000, 128>}, {transform_indices = @transform_1, window_bounds = array<i64: 8000, 16>}, {pipeline_mode = #tpu.pipeline_mode<synchronous>, transform_indices = @transform_2, window_bounds = array<i64: 16, 128>}, {transform_indices = @transform_3, window_bounds = array<i64: 8000, 128>}, {pipeline_mode = #tpu.pipeline_mode<synchronous>, transform_indices = @transform_4, window_bounds = array<i64: 8, 128>}, {pipeline_mode = #tpu.pipeline_mode<synchronous>, transform_indices = @transform_5, window_bounds = array<i64: 8, 128>}]} {
    %get3A = arith.constant 0 : index
    %get3A_0 = arith.constant 0 : index
    %get3A_1 = arith.constant 0 : index
    %get3A_2 = vector.load %arg1[%get3A, %get3A_0, %get3A_1] : memref<2x8000x128xf32, #tpu.memory_space<vmem>>, vector<1x8000x128xf32>
    %get3A_3 = vector.shape_cast %get3A_2 : vector<1x8000x128xf32> to vector<8000x128xf32>
    %get3A_4 = arith.constant 1 : index
    %get3A_5 = arith.constant 0 : index
    %get3A_6 = arith.constant 0 : index
    %get3A_7 = vector.load %arg1[%get3A_4, %get3A_5, %get3A_6] : memref<2x8000x128xf32, #tpu.memory_space<vmem>>, vector<1x8000x128xf32>
    %get3A_8 = vector.shape_cast %get3A_7 : vector<1x8000x128xf32> to vector<8000x128xf32>
    %add3A = arith.addf %get3A_3, %get3A_8 : vector<8000x128xf32>
    %get3A_9 = arith.constant 0 : index
    %get3A_10 = arith.constant 0 : index
    %get3A_11 = vector.load %arg2[%get3A_9, %get3A_10] : memref<8000x16xf32, #tpu.memory_space<vmem>>, vector<8000x16xf32>
    %get3A_12 = arith.constant 0 : index
    %get3A_13 = arith.constant 0 : index
    %get3A_14 = vector.load %arg3[%get3A_12, %get3A_13] : memref<16x128xf32, #tpu.memory_space<vmem>>, vector<16x128xf32>
    %dot_general3A = arith.constant dense<0.000000e+00> : vector<8000x128xf32>
    %dot_general3A_15 = tpu.matmul %get3A_11, %get3A_14, %dot_general3A {dimension_numbers = #tpu.dot_dimension_numbers<[1], [0], [0], [1], [0, 0, 1, 1], [], []>, transpose_lhs_hint = false} : vector<8000x16xf32>, vector<16x128xf32>, vector<8000x128xf32> -> vector<8000x128xf32>
    %add3A_16 = arith.addf %add3A, %dot_general3A_15 : vector<8000x128xf32>
    %convert_element_type3A = arith.truncf %add3A_16 : vector<8000x128xf32> to vector<8000x128xbf16>
    %swap3A = arith.constant 0 : index
    %swap3A_17 = arith.constant 0 : index
    %swap3A_18 = vector.load %arg4[%swap3A, %swap3A_17] : memref<8000x128xbf16, #tpu.memory_space<vmem>>, vector<8000x128xbf16>
    tpu.vector_store %arg4[%swap3A, %swap3A_17], %convert_element_type3A {strides = array<i32>} : memref<8000x128xbf16, #tpu.memory_space<vmem>>, vector<8000x128xbf16>,
    %reshape3A = vector.shape_cast %add3A_16 : vector<8000x128xf32> to vector<1000x8x128xf32>
    %eq3A = arith.constant 0 : i32
    %eq3A_19 = arith.cmpi eq, %arg0, %eq3A : i32
    %convert_element_type3A_20 = arith.extui %eq3A_19 : i1 to i32
    %cond3A = arith.constant 0 : i32
    %cond3A_21 = arith.cmpi ne, %convert_element_type3A_20, %cond3A : i32
    scf.if %cond3A_21 {
      %broadcast_in_dim3A = arith.constant 0.000000e+00 : f32
      %broadcast_in_dim3A_39 = vector.broadcast %broadcast_in_dim3A : f32 to vector<8x128xf32>
      %swap3A_40 = arith.constant 0 : index
      %swap3A_41 = arith.constant 0 : index
      %swap3A_42 = vector.load %arg5[%swap3A_40, %swap3A_41] : memref<8x128xf32, #tpu.memory_space<vmem>>, vector<8x128xf32>
      tpu.vector_store %arg5[%swap3A_40, %swap3A_41], %broadcast_in_dim3A_39 {strides = array<i32>} : memref<8x128xf32, #tpu.memory_space<vmem>>, vector<8x128xf32>,
      %broadcast_in_dim3A_43 = arith.constant 0.000000e+00 : f32
      %broadcast_in_dim3A_44 = vector.broadcast %broadcast_in_dim3A_43 : f32 to vector<8x128xf32>
      %swap3A_45 = arith.constant 0 : index
      %swap3A_46 = arith.constant 0 : index
      %swap3A_47 = vector.load %arg6[%swap3A_45, %swap3A_46] : memref<8x128xf32, #tpu.memory_space<vmem>>, vector<8x128xf32>
      tpu.vector_store %arg6[%swap3A_45, %swap3A_46], %broadcast_in_dim3A_44 {strides = array<i32>} : memref<8x128xf32, #tpu.memory_space<vmem>>, vector<8x128xf32>,
    } else {
    }
    %get3A_22 = arith.constant 0 : index
    %get3A_23 = arith.constant 0 : index
    %get3A_24 = vector.load %arg5[%get3A_22, %get3A_23] : memref<8x128xf32, #tpu.memory_space<vmem>>, vector<8x128xf32>
    %reduce_sum3A = arith.constant dense<0.000000e+00> : vector<8x128xf32>
    %reduce_sum3A_25 = vector.multi_reduction <add>, %reshape3A, %reduce_sum3A [0] : vector<1000x8x128xf32> to vector<8x128xf32>
    %add3A_26 = arith.addf %get3A_24, %reduce_sum3A_25 : vector<8x128xf32>
    %swap3A_27 = arith.constant 0 : index
    %swap3A_28 = arith.constant 0 : index
    %swap3A_29 = vector.load %arg5[%swap3A_27, %swap3A_28] : memref<8x128xf32, #tpu.memory_space<vmem>>, vector<8x128xf32>
    tpu.vector_store %arg5[%swap3A_27, %swap3A_28], %add3A_26 {strides = array<i32>} : memref<8x128xf32, #tpu.memory_space<vmem>>, vector<8x128xf32>,
    %get3A_30 = arith.constant 0 : index
    %get3A_31 = arith.constant 0 : index
    %get3A_32 = vector.load %arg6[%get3A_30, %get3A_31] : memref<8x128xf32, #tpu.memory_space<vmem>>, vector<8x128xf32>
    %mul3A = arith.mulf %reshape3A, %reshape3A : vector<1000x8x128xf32>
    %reduce_sum3A_33 = arith.constant dense<0.000000e+00> : vector<8x128xf32>
    %reduce_sum3A_34 = vector.multi_reduction <add>, %mul3A, %reduce_sum3A_33 [0] : vector<1000x8x128xf32> to vector<8x128xf32>
    %add3A_35 = arith.addf %get3A_32, %reduce_sum3A_34 : vector<8x128xf32>
    %swap3A_36 = arith.constant 0 : index
    %swap3A_37 = arith.constant 0 : index
    %swap3A_38 = vector.load %arg6[%swap3A_36, %swap3A_37] : memref<8x128xf32, #tpu.memory_space<vmem>>, vector<8x128xf32>
    tpu.vector_store %arg6[%swap3A_36, %swap3A_37], %add3A_35 {strides = array<i32>} : memref<8x128xf32, #tpu.memory_space<vmem>>, vector<8x128xf32>,
    return
  }
  func.func @transform_0(%arg0: i32) -> (i32, i32, i32) {
    %c0_i32 = arith.constant 0 : i32
    %c0_i32_0 = arith.constant 0 : i32
    %c0_i32_1 = arith.constant 0 : i32
    return %c0_i32, %arg0, %c0_i32_0 : i32, i32, i32
  }
  func.func @transform_1(%arg0: i32) -> (i32, i32) {
    %add3A = arith.constant 0 : i32
    %add3A_0 = arith.addi %add3A, %arg0 : i32
    %c0_i32 = arith.constant 0 : i32
    %c0_i32_1 = arith.constant 0 : i32
    return %add3A_0, %c0_i32 : i32, i32
  }
  func.func @transform_2(%arg0: i32) -> (i32, i32) {
    %c0_i32 = arith.constant 0 : i32
    %c0_i32_0 = arith.constant 0 : i32
    %c0_i32_1 = arith.constant 0 : i32
    return %c0_i32, %c0_i32_0 : i32, i32
  }
  func.func @transform_3(%arg0: i32) -> (i32, i32) {
    %c0_i32 = arith.constant 0 : i32
    %c0_i32_0 = arith.constant 0 : i32
    return %arg0, %c0_i32 : i32, i32
  }
  func.func @transform_4(%arg0: i32) -> (i32, i32) {
    %c0_i32 = arith.constant 0 : i32
    %c0_i32_0 = arith.constant 0 : i32
    %c0_i32_1 = arith.constant 0 : i32
    return %c0_i32, %c0_i32_0 : i32, i32
  }
  func.func @transform_5(%arg0: i32) -> (i32, i32) {
    %c0_i32 = arith.constant 0 : i32
    %c0_i32_0 = arith.constant 0 : i32
    %c0_i32_1 = arith.constant 0 : i32
    return %c0_i32, %c0_i32_0 : i32, i32
  }
}

module attributes {stable_mosaic.version = 14 : i64} {
  func.func @body(%arg0: i32, %arg1: memref<8000x128xbf16, #tpu.memory_space<vmem>>, %arg2: memref<128x128xf32, #tpu.memory_space<vmem>>, %arg3: memref<1x128xf32, #tpu.memory_space<vmem>>, %arg4: memref<1x128xf32, #tpu.memory_space<vmem>>, %arg5: memref<1x128xf32, #tpu.memory_space<vmem>>, %arg6: memref<8000x128xbf16, #tpu.memory_space<vmem>>, %arg7: memref<8x128xf32, #tpu.memory_space<vmem>>, %arg8: memref<8x128xf32, #tpu.memory_space<vmem>>) attributes {dimension_semantics = [#tpu.dimension_semantics<arbitrary>], iteration_bounds = array<i64: 20>, scalar_prefetch = 0 : i64, scratch_operands = 0 : i64, tpu.core_type = #tpu.core_type<tc>, window_params = [{transform_indices = @transform_0, window_bounds = array<i64: 8000, 128>}, {pipeline_mode = #tpu.pipeline_mode<synchronous>, transform_indices = @transform_1, window_bounds = array<i64: 128, 128>}, {pipeline_mode = #tpu.pipeline_mode<synchronous>, transform_indices = @transform_2, window_bounds = array<i64: 1, 128>}, {pipeline_mode = #tpu.pipeline_mode<synchronous>, transform_indices = @transform_3, window_bounds = array<i64: 1, 128>}, {pipeline_mode = #tpu.pipeline_mode<synchronous>, transform_indices = @transform_4, window_bounds = array<i64: 1, 128>}, {transform_indices = @transform_5, window_bounds = array<i64: 8000, 128>}, {pipeline_mode = #tpu.pipeline_mode<synchronous>, transform_indices = @transform_6, window_bounds = array<i64: 8, 128>}, {pipeline_mode = #tpu.pipeline_mode<synchronous>, transform_indices = @transform_7, window_bounds = array<i64: 8, 128>}]} {
    %get3A = arith.constant 0 : index
    %get3A_0 = arith.constant 0 : index
    %get3A_1 = vector.load %arg1[%get3A, %get3A_0] : memref<8000x128xbf16, #tpu.memory_space<vmem>>, vector<8000x128xbf16>
    %convert_element_type3A = arith.extf %get3A_1 : vector<8000x128xbf16> to vector<8000x128xf32>
    %get3A_2 = arith.constant 0 : index
    %get3A_3 = arith.constant 0 : index
    %get3A_4 = vector.load %arg4[%get3A_2, %get3A_3] : memref<1x128xf32, #tpu.memory_space<vmem>>, vector<1x128xf32>
    %mul3A = vector.broadcast %get3A_4 : vector<1x128xf32> to vector<8000x128xf32>
    %mul3A_5 = arith.mulf %convert_element_type3A, %mul3A : vector<8000x128xf32>
    %get3A_6 = arith.constant 0 : index
    %get3A_7 = arith.constant 0 : index
    %get3A_8 = vector.load %arg5[%get3A_6, %get3A_7] : memref<1x128xf32, #tpu.memory_space<vmem>>, vector<1x128xf32>
    %add3A = vector.broadcast %get3A_8 : vector<1x128xf32> to vector<8000x128xf32>
    %add3A_9 = arith.addf %mul3A_5, %add3A : vector<8000x128xf32>
    %max3A = arith.constant 0.000000e+00 : f32
    %max3A_10 = vector.broadcast %max3A : f32 to vector<8000x128xf32>
    %max3A_11 = arith.maximumf %add3A_9, %max3A_10 : vector<8000x128xf32>
    %abs3A = math.absf %add3A_9 : vector<8000x128xf32>
    %neg3A = arith.constant 0.000000e+00 : f32
    %neg3A_12 = vector.broadcast %neg3A : f32 to vector<8000x128xf32>
    %neg3A_13 = arith.subf %neg3A_12, %abs3A : vector<8000x128xf32>
    %exp3A = math.exp %neg3A_13 : vector<8000x128xf32>
    %log1p3A = math.log1p %exp3A : vector<8000x128xf32>
    %add3A_14 = arith.addf %max3A_11, %log1p3A : vector<8000x128xf32>
    %get3A_15 = arith.constant 0 : index
    %get3A_16 = arith.constant 0 : index
    %get3A_17 = vector.load %arg2[%get3A_15, %get3A_16] : memref<128x128xf32, #tpu.memory_space<vmem>>, vector<128x128xf32>
    %dot_general3A = arith.constant dense<0.000000e+00> : vector<8000x128xf32>
    %dot_general3A_18 = tpu.matmul %add3A_14, %get3A_17, %dot_general3A {dimension_numbers = #tpu.dot_dimension_numbers<[1], [0], [0], [1], [0, 0, 1, 1], [], []>, transpose_lhs_hint = false} : vector<8000x128xf32>, vector<128x128xf32>, vector<8000x128xf32> -> vector<8000x128xf32>
    %get3A_19 = arith.constant 0 : index
    %get3A_20 = arith.constant 0 : index
    %get3A_21 = vector.load %arg3[%get3A_19, %get3A_20] : memref<1x128xf32, #tpu.memory_space<vmem>>, vector<1x128xf32>
    %add3A_22 = vector.broadcast %get3A_21 : vector<1x128xf32> to vector<8000x128xf32>
    %add3A_23 = arith.addf %dot_general3A_18, %add3A_22 : vector<8000x128xf32>
    %convert_element_type3A_24 = arith.truncf %add3A_23 : vector<8000x128xf32> to vector<8000x128xbf16>
    %swap3A = arith.constant 0 : index
    %swap3A_25 = arith.constant 0 : index
    %swap3A_26 = vector.load %arg6[%swap3A, %swap3A_25] : memref<8000x128xbf16, #tpu.memory_space<vmem>>, vector<8000x128xbf16>
    tpu.vector_store %arg6[%swap3A, %swap3A_25], %convert_element_type3A_24 {strides = array<i32>} : memref<8000x128xbf16, #tpu.memory_space<vmem>>, vector<8000x128xbf16>,
    %reshape3A = vector.shape_cast %add3A_23 : vector<8000x128xf32> to vector<1000x8x128xf32>
    %eq3A = arith.constant 0 : i32
    %eq3A_27 = arith.cmpi eq, %arg0, %eq3A : i32
    %convert_element_type3A_28 = arith.extui %eq3A_27 : i1 to i32
    %cond3A = arith.constant 0 : i32
    %cond3A_29 = arith.cmpi ne, %convert_element_type3A_28, %cond3A : i32
    scf.if %cond3A_29 {
      %broadcast_in_dim3A = arith.constant 0.000000e+00 : f32
      %broadcast_in_dim3A_48 = vector.broadcast %broadcast_in_dim3A : f32 to vector<8x128xf32>
      %swap3A_49 = arith.constant 0 : index
      %swap3A_50 = arith.constant 0 : index
      %swap3A_51 = vector.load %arg7[%swap3A_49, %swap3A_50] : memref<8x128xf32, #tpu.memory_space<vmem>>, vector<8x128xf32>
      tpu.vector_store %arg7[%swap3A_49, %swap3A_50], %broadcast_in_dim3A_48 {strides = array<i32>} : memref<8x128xf32, #tpu.memory_space<vmem>>, vector<8x128xf32>,
      %broadcast_in_dim3A_52 = arith.constant 0.000000e+00 : f32
      %broadcast_in_dim3A_53 = vector.broadcast %broadcast_in_dim3A_52 : f32 to vector<8x128xf32>
      %swap3A_54 = arith.constant 0 : index
      %swap3A_55 = arith.constant 0 : index
      %swap3A_56 = vector.load %arg8[%swap3A_54, %swap3A_55] : memref<8x128xf32, #tpu.memory_space<vmem>>, vector<8x128xf32>
      tpu.vector_store %arg8[%swap3A_54, %swap3A_55], %broadcast_in_dim3A_53 {strides = array<i32>} : memref<8x128xf32, #tpu.memory_space<vmem>>, vector<8x128xf32>,
    } else {
    }
    %get3A_30 = arith.constant 0 : index
    %get3A_31 = arith.constant 0 : index
    %get3A_32 = vector.load %arg7[%get3A_30, %get3A_31] : memref<8x128xf32, #tpu.memory_space<vmem>>, vector<8x128xf32>
    %reduce_sum3A = arith.constant dense<0.000000e+00> : vector<8x128xf32>
    %reduce_sum3A_33 = vector.multi_reduction <add>, %reshape3A, %reduce_sum3A [0] : vector<1000x8x128xf32> to vector<8x128xf32>
    %add3A_34 = arith.addf %get3A_32, %reduce_sum3A_33 : vector<8x128xf32>
    %swap3A_35 = arith.constant 0 : index
    %swap3A_36 = arith.constant 0 : index
    %swap3A_37 = vector.load %arg7[%swap3A_35, %swap3A_36] : memref<8x128xf32, #tpu.memory_space<vmem>>, vector<8x128xf32>
    tpu.vector_store %arg7[%swap3A_35, %swap3A_36], %add3A_34 {strides = array<i32>} : memref<8x128xf32, #tpu.memory_space<vmem>>, vector<8x128xf32>,
    %get3A_38 = arith.constant 0 : index
    %get3A_39 = arith.constant 0 : index
    %get3A_40 = vector.load %arg8[%get3A_38, %get3A_39] : memref<8x128xf32, #tpu.memory_space<vmem>>, vector<8x128xf32>
    %mul3A_41 = arith.mulf %reshape3A, %reshape3A : vector<1000x8x128xf32>
    %reduce_sum3A_42 = arith.constant dense<0.000000e+00> : vector<8x128xf32>
    %reduce_sum3A_43 = vector.multi_reduction <add>, %mul3A_41, %reduce_sum3A_42 [0] : vector<1000x8x128xf32> to vector<8x128xf32>
    %add3A_44 = arith.addf %get3A_40, %reduce_sum3A_43 : vector<8x128xf32>
    %swap3A_45 = arith.constant 0 : index
    %swap3A_46 = arith.constant 0 : index
    %swap3A_47 = vector.load %arg8[%swap3A_45, %swap3A_46] : memref<8x128xf32, #tpu.memory_space<vmem>>, vector<8x128xf32>
    tpu.vector_store %arg8[%swap3A_45, %swap3A_46], %add3A_44 {strides = array<i32>} : memref<8x128xf32, #tpu.memory_space<vmem>>, vector<8x128xf32>,
    return
  }
  func.func @transform_0(%arg0: i32) -> (i32, i32) {
    %c0_i32 = arith.constant 0 : i32
    %c0_i32_0 = arith.constant 0 : i32
    return %arg0, %c0_i32 : i32, i32
  }
  func.func @transform_1(%arg0: i32) -> (i32, i32) {
    %c0_i32 = arith.constant 0 : i32
    %c0_i32_0 = arith.constant 0 : i32
    %c0_i32_1 = arith.constant 0 : i32
    return %c0_i32, %c0_i32_0 : i32, i32
  }
  func.func @transform_2(%arg0: i32) -> (i32, i32) {
    %c0_i32 = arith.constant 0 : i32
    %c0_i32_0 = arith.constant 0 : i32
    %c0_i32_1 = arith.constant 0 : i32
    return %c0_i32, %c0_i32_0 : i32, i32
  }
  func.func @transform_3(%arg0: i32) -> (i32, i32) {
    %c0_i32 = arith.constant 0 : i32
    %c0_i32_0 = arith.constant 0 : i32
    %c0_i32_1 = arith.constant 0 : i32
    return %c0_i32, %c0_i32_0 : i32, i32
  }
  func.func @transform_4(%arg0: i32) -> (i32, i32) {
    %c0_i32 = arith.constant 0 : i32
    %c0_i32_0 = arith.constant 0 : i32
    %c0_i32_1 = arith.constant 0 : i32
    return %c0_i32, %c0_i32_0 : i32, i32
  }
  func.func @transform_5(%arg0: i32) -> (i32, i32) {
    %c0_i32 = arith.constant 0 : i32
    %c0_i32_0 = arith.constant 0 : i32
    return %arg0, %c0_i32 : i32, i32
  }
  func.func @transform_6(%arg0: i32) -> (i32, i32) {
    %c0_i32 = arith.constant 0 : i32
    %c0_i32_0 = arith.constant 0 : i32
    %c0_i32_1 = arith.constant 0 : i32
    return %c0_i32, %c0_i32_0 : i32, i32
  }
  func.func @transform_7(%arg0: i32) -> (i32, i32) {
    %c0_i32 = arith.constant 0 : i32
    %c0_i32_0 = arith.constant 0 : i32
    %c0_i32_1 = arith.constant 0 : i32
    return %c0_i32, %c0_i32_0 : i32, i32
  }
}

module attributes {stable_mosaic.version = 14 : i64} {
  func.func @body(%arg0: i32, %arg1: memref<8000x128xbf16, #tpu.memory_space<vmem>>, %arg2: memref<1x128xf32, #tpu.memory_space<vmem>>, %arg3: memref<1x128xf32, #tpu.memory_space<vmem>>, %arg4: memref<8000x128xf32, #tpu.memory_space<vmem>>) attributes {dimension_semantics = [#tpu.dimension_semantics<arbitrary>], iteration_bounds = array<i64: 20>, scalar_prefetch = 0 : i64, scratch_operands = 0 : i64, tpu.core_type = #tpu.core_type<tc>, window_params = [{transform_indices = @transform_0, window_bounds = array<i64: 8000, 128>}, {pipeline_mode = #tpu.pipeline_mode<synchronous>, transform_indices = @transform_1, window_bounds = array<i64: 1, 128>}, {pipeline_mode = #tpu.pipeline_mode<synchronous>, transform_indices = @transform_2, window_bounds = array<i64: 1, 128>}, {transform_indices = @transform_3, window_bounds = array<i64: 8000, 128>}]} {
    %get3A = arith.constant 0 : index
    %get3A_0 = arith.constant 0 : index
    %get3A_1 = vector.load %arg1[%get3A, %get3A_0] : memref<8000x128xbf16, #tpu.memory_space<vmem>>, vector<8000x128xbf16>
    %convert_element_type3A = arith.extf %get3A_1 : vector<8000x128xbf16> to vector<8000x128xf32>
    %get3A_2 = arith.constant 0 : index
    %get3A_3 = arith.constant 0 : index
    %get3A_4 = vector.load %arg2[%get3A_2, %get3A_3] : memref<1x128xf32, #tpu.memory_space<vmem>>, vector<1x128xf32>
    %mul3A = vector.broadcast %get3A_4 : vector<1x128xf32> to vector<8000x128xf32>
    %mul3A_5 = arith.mulf %convert_element_type3A, %mul3A : vector<8000x128xf32>
    %get3A_6 = arith.constant 0 : index
    %get3A_7 = arith.constant 0 : index
    %get3A_8 = vector.load %arg3[%get3A_6, %get3A_7] : memref<1x128xf32, #tpu.memory_space<vmem>>, vector<1x128xf32>
    %add3A = vector.broadcast %get3A_8 : vector<1x128xf32> to vector<8000x128xf32>
    %add3A_9 = arith.addf %mul3A_5, %add3A : vector<8000x128xf32>
    %max3A = arith.constant 0.000000e+00 : f32
    %max3A_10 = vector.broadcast %max3A : f32 to vector<8000x128xf32>
    %max3A_11 = arith.maximumf %add3A_9, %max3A_10 : vector<8000x128xf32>
    %abs3A = math.absf %add3A_9 : vector<8000x128xf32>
    %neg3A = arith.constant 0.000000e+00 : f32
    %neg3A_12 = vector.broadcast %neg3A : f32 to vector<8000x128xf32>
    %neg3A_13 = arith.subf %neg3A_12, %abs3A : vector<8000x128xf32>
    %exp3A = math.exp %neg3A_13 : vector<8000x128xf32>
    %log1p3A = math.log1p %exp3A : vector<8000x128xf32>
    %add3A_14 = arith.addf %max3A_11, %log1p3A : vector<8000x128xf32>
    %swap3A = arith.constant 0 : index
    %swap3A_15 = arith.constant 0 : index
    %swap3A_16 = vector.load %arg4[%swap3A, %swap3A_15] : memref<8000x128xf32, #tpu.memory_space<vmem>>, vector<8000x128xf32>
    tpu.vector_store %arg4[%swap3A, %swap3A_15], %add3A_14 {strides = array<i32>} : memref<8000x128xf32, #tpu.memory_space<vmem>>, vector<8000x128xf32>,
    return
  }
  func.func @transform_0(%arg0: i32) -> (i32, i32) {
    %c0_i32 = arith.constant 0 : i32
    %c0_i32_0 = arith.constant 0 : i32
    return %arg0, %c0_i32 : i32, i32
  }
  func.func @transform_1(%arg0: i32) -> (i32, i32) {
    %c0_i32 = arith.constant 0 : i32
    %c0_i32_0 = arith.constant 0 : i32
    %c0_i32_1 = arith.constant 0 : i32
    return %c0_i32, %c0_i32_0 : i32, i32
  }
  func.func @transform_2(%arg0: i32) -> (i32, i32) {
    %c0_i32 = arith.constant 0 : i32
    %c0_i32_0 = arith.constant 0 : i32
    %c0_i32_1 = arith.constant 0 : i32
    return %c0_i32, %c0_i32_0 : i32, i32
  }
  func.func @transform_3(%arg0: i32) -> (i32, i32) {
    %c0_i32 = arith.constant 0 : i32
    %c0_i32_0 = arith.constant 0 : i32
    return %arg0, %c0_i32 : i32, i32
  }
}

module attributes {stable_mosaic.version = 14 : i64} {
  func.func @body(%arg0: i32, %arg1: memref<2000x128xf32, #tpu.memory_space<vmem>>, %arg2: memref<2x2000x128xf32, #tpu.memory_space<vmem>>, %arg3: memref<2x2000x128xf32, #tpu.memory_space<vmem>>, %arg4: memref<128x128xf32, #tpu.memory_space<vmem>>, %arg5: memref<1x128xf32, #tpu.memory_space<vmem>>, %arg6: memref<2000x128xf32, #tpu.memory_space<vmem>>, %arg7: memref<8x128xf32, #tpu.memory_space<vmem>>, %arg8: memref<8x128xf32, #tpu.memory_space<vmem>>) attributes {dimension_semantics = [#tpu.dimension_semantics<arbitrary>], iteration_bounds = array<i64: 5>, scalar_prefetch = 0 : i64, scratch_operands = 0 : i64, tpu.core_type = #tpu.core_type<tc>, window_params = [{transform_indices = @transform_0, window_bounds = array<i64: 2000, 128>}, {transform_indices = @transform_1, window_bounds = array<i64: 2, 2000, 128>}, {transform_indices = @transform_2, window_bounds = array<i64: 2, 2000, 128>}, {pipeline_mode = #tpu.pipeline_mode<synchronous>, transform_indices = @transform_3, window_bounds = array<i64: 128, 128>}, {pipeline_mode = #tpu.pipeline_mode<synchronous>, transform_indices = @transform_4, window_bounds = array<i64: 1, 128>}, {transform_indices = @transform_5, window_bounds = array<i64: 2000, 128>}, {pipeline_mode = #tpu.pipeline_mode<synchronous>, transform_indices = @transform_6, window_bounds = array<i64: 8, 128>}, {pipeline_mode = #tpu.pipeline_mode<synchronous>, transform_indices = @transform_7, window_bounds = array<i64: 8, 128>}]} {
    %get3A = arith.constant 0 : index
    %get3A_0 = arith.constant 0 : index
    %get3A_1 = vector.load %arg1[%get3A, %get3A_0] : memref<2000x128xf32, #tpu.memory_space<vmem>>, vector<2000x128xf32>
    %get3A_2 = arith.constant 0 : index
    %get3A_3 = arith.constant 0 : index
    %get3A_4 = arith.constant 0 : index
    %get3A_5 = vector.load %arg2[%get3A_2, %get3A_3, %get3A_4] : memref<2x2000x128xf32, #tpu.memory_space<vmem>>, vector<1x2000x128xf32>
    %get3A_6 = vector.shape_cast %get3A_5 : vector<1x2000x128xf32> to vector<2000x128xf32>
    %add3A = arith.addf %get3A_1, %get3A_6 : vector<2000x128xf32>
    %get3A_7 = arith.constant 1 : index
    %get3A_8 = arith.constant 0 : index
    %get3A_9 = arith.constant 0 : index
    %get3A_10 = vector.load %arg2[%get3A_7, %get3A_8, %get3A_9] : memref<2x2000x128xf32, #tpu.memory_space<vmem>>, vector<1x2000x128xf32>
    %get3A_11 = vector.shape_cast %get3A_10 : vector<1x2000x128xf32> to vector<2000x128xf32>
    %add3A_12 = arith.addf %add3A, %get3A_11 : vector<2000x128xf32>
    %get3A_13 = arith.constant 0 : index
    %get3A_14 = arith.constant 0 : index
    %get3A_15 = arith.constant 0 : index
    %get3A_16 = vector.load %arg3[%get3A_13, %get3A_14, %get3A_15] : memref<2x2000x128xf32, #tpu.memory_space<vmem>>, vector<1x2000x128xf32>
    %get3A_17 = vector.shape_cast %get3A_16 : vector<1x2000x128xf32> to vector<2000x128xf32>
    %add3A_18 = arith.addf %add3A_12, %get3A_17 : vector<2000x128xf32>
    %get3A_19 = arith.constant 1 : index
    %get3A_20 = arith.constant 0 : index
    %get3A_21 = arith.constant 0 : index
    %get3A_22 = vector.load %arg3[%get3A_19, %get3A_20, %get3A_21] : memref<2x2000x128xf32, #tpu.memory_space<vmem>>, vector<1x2000x128xf32>
    %get3A_23 = vector.shape_cast %get3A_22 : vector<1x2000x128xf32> to vector<2000x128xf32>
    %add3A_24 = arith.addf %add3A_18, %get3A_23 : vector<2000x128xf32>
    %get3A_25 = arith.constant 0 : index
    %get3A_26 = arith.constant 0 : index
    %get3A_27 = vector.load %arg4[%get3A_25, %get3A_26] : memref<128x128xf32, #tpu.memory_space<vmem>>, vector<128x128xf32>
    %dot_general3A = arith.constant dense<0.000000e+00> : vector<2000x128xf32>
    %dot_general3A_28 = tpu.matmul %add3A_24, %get3A_27, %dot_general3A {dimension_numbers = #tpu.dot_dimension_numbers<[1], [0], [0], [1], [0, 0, 1, 1], [], []>, transpose_lhs_hint = false} : vector<2000x128xf32>, vector<128x128xf32>, vector<2000x128xf32> -> vector<2000x128xf32>
    %get3A_29 = arith.constant 0 : index
    %get3A_30 = arith.constant 0 : index
    %get3A_31 = vector.load %arg5[%get3A_29, %get3A_30] : memref<1x128xf32, #tpu.memory_space<vmem>>, vector<1x128xf32>
    %add3A_32 = vector.broadcast %get3A_31 : vector<1x128xf32> to vector<2000x128xf32>
    %add3A_33 = arith.addf %dot_general3A_28, %add3A_32 : vector<2000x128xf32>
    %swap3A = arith.constant 0 : index
    %swap3A_34 = arith.constant 0 : index
    %swap3A_35 = vector.load %arg6[%swap3A, %swap3A_34] : memref<2000x128xf32, #tpu.memory_space<vmem>>, vector<2000x128xf32>
    tpu.vector_store %arg6[%swap3A, %swap3A_34], %add3A_33 {strides = array<i32>} : memref<2000x128xf32, #tpu.memory_space<vmem>>, vector<2000x128xf32>,
    %reshape3A = vector.shape_cast %add3A_33 : vector<2000x128xf32> to vector<250x8x128xf32>
    %eq3A = arith.constant 0 : i32
    %eq3A_36 = arith.cmpi eq, %arg0, %eq3A : i32
    %convert_element_type3A = arith.extui %eq3A_36 : i1 to i32
    %cond3A = arith.constant 0 : i32
    %cond3A_37 = arith.cmpi ne, %convert_element_type3A, %cond3A : i32
    scf.if %cond3A_37 {
      %broadcast_in_dim3A = arith.constant 0.000000e+00 : f32
      %broadcast_in_dim3A_55 = vector.broadcast %broadcast_in_dim3A : f32 to vector<8x128xf32>
      %swap3A_56 = arith.constant 0 : index
      %swap3A_57 = arith.constant 0 : index
      %swap3A_58 = vector.load %arg7[%swap3A_56, %swap3A_57] : memref<8x128xf32, #tpu.memory_space<vmem>>, vector<8x128xf32>
      tpu.vector_store %arg7[%swap3A_56, %swap3A_57], %broadcast_in_dim3A_55 {strides = array<i32>} : memref<8x128xf32, #tpu.memory_space<vmem>>, vector<8x128xf32>,
      %broadcast_in_dim3A_59 = arith.constant 0.000000e+00 : f32
      %broadcast_in_dim3A_60 = vector.broadcast %broadcast_in_dim3A_59 : f32 to vector<8x128xf32>
      %swap3A_61 = arith.constant 0 : index
      %swap3A_62 = arith.constant 0 : index
      %swap3A_63 = vector.load %arg8[%swap3A_61, %swap3A_62] : memref<8x128xf32, #tpu.memory_space<vmem>>, vector<8x128xf32>
      tpu.vector_store %arg8[%swap3A_61, %swap3A_62], %broadcast_in_dim3A_60 {strides = array<i32>} : memref<8x128xf32, #tpu.memory_space<vmem>>, vector<8x128xf32>,
    } else {
    }
    %get3A_38 = arith.constant 0 : index
    %get3A_39 = arith.constant 0 : index
    %get3A_40 = vector.load %arg7[%get3A_38, %get3A_39] : memref<8x128xf32, #tpu.memory_space<vmem>>, vector<8x128xf32>
    %reduce_sum3A = arith.constant dense<0.000000e+00> : vector<8x128xf32>
    %reduce_sum3A_41 = vector.multi_reduction <add>, %reshape3A, %reduce_sum3A [0] : vector<250x8x128xf32> to vector<8x128xf32>
    %add3A_42 = arith.addf %get3A_40, %reduce_sum3A_41 : vector<8x128xf32>
    %swap3A_43 = arith.constant 0 : index
    %swap3A_44 = arith.constant 0 : index
    %swap3A_45 = vector.load %arg7[%swap3A_43, %swap3A_44] : memref<8x128xf32, #tpu.memory_space<vmem>>, vector<8x128xf32>
    tpu.vector_store %arg7[%swap3A_43, %swap3A_44], %add3A_42 {strides = array<i32>} : memref<8x128xf32, #tpu.memory_space<vmem>>, vector<8x128xf32>,
    %get3A_46 = arith.constant 0 : index
    %get3A_47 = arith.constant 0 : index
    %get3A_48 = vector.load %arg8[%get3A_46, %get3A_47] : memref<8x128xf32, #tpu.memory_space<vmem>>, vector<8x128xf32>
    %mul3A = arith.mulf %reshape3A, %reshape3A : vector<250x8x128xf32>
    %reduce_sum3A_49 = arith.constant dense<0.000000e+00> : vector<8x128xf32>
    %reduce_sum3A_50 = vector.multi_reduction <add>, %mul3A, %reduce_sum3A_49 [0] : vector<250x8x128xf32> to vector<8x128xf32>
    %add3A_51 = arith.addf %get3A_48, %reduce_sum3A_50 : vector<8x128xf32>
    %swap3A_52 = arith.constant 0 : index
    %swap3A_53 = arith.constant 0 : index
    %swap3A_54 = vector.load %arg8[%swap3A_52, %swap3A_53] : memref<8x128xf32, #tpu.memory_space<vmem>>, vector<8x128xf32>
    tpu.vector_store %arg8[%swap3A_52, %swap3A_53], %add3A_51 {strides = array<i32>} : memref<8x128xf32, #tpu.memory_space<vmem>>, vector<8x128xf32>,
    return
  }
  func.func @transform_0(%arg0: i32) -> (i32, i32) {
    %c0_i32 = arith.constant 0 : i32
    %c0_i32_0 = arith.constant 0 : i32
    return %arg0, %c0_i32 : i32, i32
  }
  func.func @transform_1(%arg0: i32) -> (i32, i32, i32) {
    %c0_i32 = arith.constant 0 : i32
    %c0_i32_0 = arith.constant 0 : i32
    %c0_i32_1 = arith.constant 0 : i32
    return %c0_i32, %arg0, %c0_i32_0 : i32, i32, i32
  }
  func.func @transform_2(%arg0: i32) -> (i32, i32, i32) {
    %c0_i32 = arith.constant 0 : i32
    %c0_i32_0 = arith.constant 0 : i32
    %c0_i32_1 = arith.constant 0 : i32
    return %c0_i32, %arg0, %c0_i32_0 : i32, i32, i32
  }
  func.func @transform_3(%arg0: i32) -> (i32, i32) {
    %c0_i32 = arith.constant 0 : i32
    %c0_i32_0 = arith.constant 0 : i32
    %c0_i32_1 = arith.constant 0 : i32
    return %c0_i32, %c0_i32_0 : i32, i32
  }
  func.func @transform_4(%arg0: i32) -> (i32, i32) {
    %c0_i32 = arith.constant 0 : i32
    %c0_i32_0 = arith.constant 0 : i32
    %c0_i32_1 = arith.constant 0 : i32
    return %c0_i32, %c0_i32_0 : i32, i32
  }
  func.func @transform_5(%arg0: i32) -> (i32, i32) {
    %c0_i32 = arith.constant 0 : i32
    %c0_i32_0 = arith.constant 0 : i32
    return %arg0, %c0_i32 : i32, i32
  }
  func.func @transform_6(%arg0: i32) -> (i32, i32) {
    %c0_i32 = arith.constant 0 : i32
    %c0_i32_0 = arith.constant 0 : i32
    %c0_i32_1 = arith.constant 0 : i32
    return %c0_i32, %c0_i32_0 : i32, i32
  }
  func.func @transform_7(%arg0: i32) -> (i32, i32) {
    %c0_i32 = arith.constant 0 : i32
    %c0_i32_0 = arith.constant 0 : i32
    %c0_i32_1 = arith.constant 0 : i32
    return %c0_i32, %c0_i32_0 : i32, i32
  }
}

module attributes {stable_mosaic.version = 14 : i64} {
  func.func @body(%arg0: i32, %arg1: memref<2000x128xf32, #tpu.memory_space<vmem>>, %arg2: memref<1x128xf32, #tpu.memory_space<vmem>>, %arg3: memref<1x128xf32, #tpu.memory_space<vmem>>, %arg4: memref<2000x128xf32, #tpu.memory_space<vmem>>) attributes {dimension_semantics = [#tpu.dimension_semantics<arbitrary>], iteration_bounds = array<i64: 5>, scalar_prefetch = 0 : i64, scratch_operands = 0 : i64, tpu.core_type = #tpu.core_type<tc>, window_params = [{transform_indices = @transform_0, window_bounds = array<i64: 2000, 128>}, {pipeline_mode = #tpu.pipeline_mode<synchronous>, transform_indices = @transform_1, window_bounds = array<i64: 1, 128>}, {pipeline_mode = #tpu.pipeline_mode<synchronous>, transform_indices = @transform_2, window_bounds = array<i64: 1, 128>}, {transform_indices = @transform_3, window_bounds = array<i64: 2000, 128>}]} {
    %get3A = arith.constant 0 : index
    %get3A_0 = arith.constant 0 : index
    %get3A_1 = vector.load %arg1[%get3A, %get3A_0] : memref<2000x128xf32, #tpu.memory_space<vmem>>, vector<2000x128xf32>
    %get3A_2 = arith.constant 0 : index
    %get3A_3 = arith.constant 0 : index
    %get3A_4 = vector.load %arg2[%get3A_2, %get3A_3] : memref<1x128xf32, #tpu.memory_space<vmem>>, vector<1x128xf32>
    %mul3A = vector.broadcast %get3A_4 : vector<1x128xf32> to vector<2000x128xf32>
    %mul3A_5 = arith.mulf %get3A_1, %mul3A : vector<2000x128xf32>
    %get3A_6 = arith.constant 0 : index
    %get3A_7 = arith.constant 0 : index
    %get3A_8 = vector.load %arg3[%get3A_6, %get3A_7] : memref<1x128xf32, #tpu.memory_space<vmem>>, vector<1x128xf32>
    %add3A = vector.broadcast %get3A_8 : vector<1x128xf32> to vector<2000x128xf32>
    %add3A_9 = arith.addf %mul3A_5, %add3A : vector<2000x128xf32>
    %max3A = arith.constant 0.000000e+00 : f32
    %max3A_10 = vector.broadcast %max3A : f32 to vector<2000x128xf32>
    %max3A_11 = arith.maximumf %add3A_9, %max3A_10 : vector<2000x128xf32>
    %abs3A = math.absf %add3A_9 : vector<2000x128xf32>
    %neg3A = arith.constant 0.000000e+00 : f32
    %neg3A_12 = vector.broadcast %neg3A : f32 to vector<2000x128xf32>
    %neg3A_13 = arith.subf %neg3A_12, %abs3A : vector<2000x128xf32>
    %exp3A = math.exp %neg3A_13 : vector<2000x128xf32>
    %log1p3A = math.log1p %exp3A : vector<2000x128xf32>
    %add3A_14 = arith.addf %max3A_11, %log1p3A : vector<2000x128xf32>
    %swap3A = arith.constant 0 : index
    %swap3A_15 = arith.constant 0 : index
    %swap3A_16 = vector.load %arg4[%swap3A, %swap3A_15] : memref<2000x128xf32, #tpu.memory_space<vmem>>, vector<2000x128xf32>
    tpu.vector_store %arg4[%swap3A, %swap3A_15], %add3A_14 {strides = array<i32>} : memref<2000x128xf32, #tpu.memory_space<vmem>>, vector<2000x128xf32>,
    return
  }
  func.func @transform_0(%arg0: i32) -> (i32, i32) {
    %c0_i32 = arith.constant 0 : i32
    %c0_i32_0 = arith.constant 0 : i32
    return %arg0, %c0_i32 : i32, i32
  }
  func.func @transform_1(%arg0: i32) -> (i32, i32) {
    %c0_i32 = arith.constant 0 : i32
    %c0_i32_0 = arith.constant 0 : i32
    %c0_i32_1 = arith.constant 0 : i32
    return %c0_i32, %c0_i32_0 : i32, i32
  }
  func.func @transform_2(%arg0: i32) -> (i32, i32) {
    %c0_i32 = arith.constant 0 : i32
    %c0_i32_0 = arith.constant 0 : i32
    %c0_i32_1 = arith.constant 0 : i32
    return %c0_i32, %c0_i32_0 : i32, i32
  }
  func.func @transform_3(%arg0: i32) -> (i32, i32) {
    %c0_i32 = arith.constant 0 : i32
    %c0_i32_0 = arith.constant 0 : i32
    return %arg0, %c0_i32 : i32, i32
  }
}

</mosaic_0001>

<sc_bundles>
// kernel: kernel.16.cloned.1.call-start
scs
__scs_entry_jumppad:
0x0: {  	(pc) =	sbr.rel $0x88, $3  }
0x1: {  	(tag) =	ssettag $0x0;
	lr =	simm.s32 $0x1  }
0x2: {  	[smem:$0x3F92] =	sst lr;
	_ =	strace $0xD0000000  }
0x3: {  	_ = 	snop  }
0x4: {  	_ = 	snop  }
0x5: {  	_ = 	snop  }
0x6: {  	_ = 	snop  }
0x7: {  	_ = 	snop  }
__scs_overlays_trampoline_lowered:
0x8: {  	[smem:$0x3FA1] =	sst s0  }
0x9: {  	[smem:$0x3FA2] =	sst s1  }
0xa: {  	[smem:$0x3FA3] =	sst s2  }
0xb: {  	[smem:$0x3FA4] =	sst s3  }
0xc: {  	[smem:$0x3FA5] =	sst s4  }
0xd: {  	[smem:$0x3FA6] =	sst s5  }
0xe: {  	[smem:$0x3FA7] =	sst s6  }
0xf: {  	[smem:$0x3FA8] =	sst s7  }
0x10: {  	[smem:$0x3FA9] =	sst s8  }
0x11: {  	[smem:$0x3FAA] =	sst s9;
	s0 =	simm.s32 @!p0 $0x0  }
0x12: {  	s1 =	sld [smem:$0x3F90];
	s0 =	simm.s32 @p0 $0x1  }
0x13: {  	[smem:$0x3FAB] =	sst s0;
	s0 =	simm.s32 @!p1 $0x0  }
0x14: {  	s2 =	sld [smem:$0x3F8F];
	s0 =	simm.s32 @p1 $0x1  }
0x15: {  	[smem:$0x3FAC] =	sst s0;
	s0 =	simm.s32 @!p2 $0x0  }
0x16: {  	s3 =	sld [smem:$0x3FDB];
	s0 =	simm.s32 @p2 $0x1  }
0x17: {  	s4 =	simm.s32 $0x1BF5;
	[smem:$0x3FAE] =	sst s0  }
0x18: {  	s0 =	sld [smem:$0x3F91];
	_ =	swait.ge [sflag:s4], $0x0  }
0x19: {  	s7 =	sld [smem:$0x3F92]  }
0x1a: {  	s8 =	sadd.s32 $0xFFFFE003, lr  }
0x1b: {  	s9 =	sadd.s32 $0xFFFFFEF7, lr;
	s5 =	simm.s32 $0xFFFFFFFF;
	p2 =	slt.u32 s8, $0xFFFFF086  }
0x1c: {  	p1 =	slt.u32 s9, $0xF7A;
	s5 =	simm.s32 @!p2 $0x0  }
0x1d: {  	s5 =	simm.s32 @p1 $0x1;
	p0 =	seq.s32 s7, s2  }
0x1e: {  	s7 =	smul.u32 @!p0 $0xF7A, s2;
	p2 =	seq.s32 @!p0 s5, $0x0  }
0x1f: {  	s9 =	smul.u32 $0xF7A, s1;
	s8 =	simm.s32 @!p0 $0x1BF5;
	p2 =	por !p2, p0  }
0x20: {  	[sflag:s8] =	ssyncset.s32 @!p0 $0xFFFFF086;
	s6 =	sadd.s32 @!p0 s3, s7;
	s7 =	simm.s32 @!p0 $0x108  }
0x21: {  	s3 =	sadd.s32 s3, s9;
	s6 =	sadd.s32 @!p0 $0x88, s6;
	s7 =	simm.s32 @p2 $0x1082  }
0x22: {  	[simem:s7], [sflag:s8] =	dma.local @!p0 [hbm:s6], $0xF7A  }
0x23: {  	s9 =	sor.u32 $0xD0000000, s2;
	s6 =	simm.s32 $0x108;
	_ =	swait.ge @!p0 [sflag:s8], $0x0  }
0x24: {  	s3 =	sadd.s32 $0x88, s3;
	s6 =	simm.s32 @!p1 $0x1082;
	[sflag:s4] =	ssyncset.s32 $0xFFFFF086  }
0x25: {  	[simem:s6], [sflag:s4] =	dma.local [hbm:s3], $0xF7A  }
0x26: {  	[smem:$0x3F92] =	sst s1;
	(tag) =	ssettag s2;
	_ =	strace s9  }
0x27: {  	s1 =	sld [smem:$0x3FA2]  }
0x28: {  	s2 =	sld [smem:$0x3FA3]  }
0x29: {  	s4 =	sld [smem:$0x3FA5]  }
0x2a: {  	p0 =	seq.s32 s5, $0x0;
	s5 =	sld [smem:$0x3FA6]  }
0x2b: {  	s6 =	sld [smem:$0x3FA7]  }
0x2c: {  	s7 =	sld [smem:$0x3FA8]  }
0x2d: {  	s3 =	simm.s32 $0x108;
	s8 =	sld [smem:$0x3FA9]  }
0x2e: {  	s3 =	simm.s32 @!p0 $0x1082;
	s9 =	sld [smem:$0x3FAA]  }
0x2f: {  	lr =	sadd.s32 s0, s3;
	s0 =	sld [smem:$0x3FA1]  }
0x30: {  	s3 =	sld [smem:$0x3FA4]  }
0x31: {  	[smem:$0x3FAD] =	sst s10  }
0x32: {  	s10 =	sld [smem:$0x3FAB];
	_ =	sdelay $0x3  }
0x33: {  	p0 =	seq.s32 s10, $0x1;
	s10 =	sld [smem:$0x3FAD];
	_ =	sdelay $0x3  }
0x34: {  	[smem:$0x3FAD] =	sst s10  }
0x35: {  	s10 =	sld [smem:$0x3FAC];
	_ =	sdelay $0x3  }
0x36: {  	p1 =	seq.s32 s10, $0x1;
	s10 =	sld [smem:$0x3FAD];
	_ =	sdelay $0x3  }
0x37: {  	[smem:$0x3FAD] =	sst s10  }
0x38: {  	s10 =	sld [smem:$0x3FAE]  }
0x39: {  	_ = 	snop;
	(pc) =	sbr.ind lr, $3  }
0x3a: {  	_ = 	snop  }
0x3b: {  	_ = 	snop  }
0x3c: {  	p2 =	seq.s32 s10, $0x1;
	s10 =	sld [smem:$0x3FAD]  }
0x3d: {  	_ =	shalt  }
0x3e: {  	_ =	shalt  }
0x3f: {  	_ =	shalt  }
0x40: {  	_ =	shalt  }
0x41: {  	_ =	shalt  }
0x42: {  	_ =	shalt  }
0x43: {  	_ =	shalt  }
0x44: {  	_ =	shalt  }
0x45: {  	_ =	shalt  }
0x46: {  	_ =	shalt  }
0x47: {  	_ =	shalt  }
0x48: {  	_ =	shalt  }
0x49: {  	_ =	shalt  }
0x4a: {  	_ =	shalt  }
0x4b: {  	_ =	shalt  }
0x4c: {  	_ =	shalt  }
0x4d: {  	_ =	shalt  }
0x4e: {  	_ =	shalt  }
0x4f: {  	_ =	shalt  }
0x50: {  	_ =	shalt  }
0x51: {  	_ =	shalt  }
0x52: {  	_ =	shalt  }
0x53: {  	_ =	shalt  }
0x54: {  	_ =	shalt  }
0x55: {  	_ =	shalt  }
0x56: {  	_ =	shalt  }
0x57: {  	_ =	shalt  }
0x58: {  	_ =	shalt  }
0x59: {  	_ =	shalt  }
0x5a: {  	_ =	shalt  }
0x5b: {  	_ =	shalt  }
0x5c: {  	_ =	shalt  }
0x5d: {  	_ =	shalt  }
0x5e: {  	_ =	shalt  }
0x5f: {  	_ =	shalt  }
0x60: {  	_ =	shalt  }
0x61: {  	_ =	shalt  }
0x62: {  	_ =	shalt  }
0x63: {  	_ =	shalt  }
0x64: {  	_ =	shalt  }
0x65: {  	_ =	shalt  }
0x66: {  	_ =	shalt  }
0x67: {  	_ =	shalt  }
0x68: {  	_ =	shalt  }
0x69: {  	_ =	shalt  }
0x6a: {  	_ =	shalt  }
0x6b: {  	_ =	shalt  }
0x6c: {  	_ =	shalt  }
0x6d: {  	_ =	shalt  }
0x6e: {  	_ =	shalt  }
0x6f: {  	_ =	shalt  }
0x70: {  	_ =	shalt  }
0x71: {  	_ =	shalt  }
0x72: {  	_ =	shalt  }
0x73: {  	_ =	shalt  }
0x74: {  	_ =	shalt  }
0x75: {  	_ =	shalt  }
0x76: {  	_ =	shalt  }
0x77: {  	_ =	shalt  }
0x78: {  	_ =	shalt  }
0x79: {  	_ =	shalt  }
0x7a: {  	_ =	shalt  }
0x7b: {  	_ =	shalt  }
0x7c: {  	_ =	shalt  }
0x7d: {  	_ =	shalt  }
0x7e: {  	_ =	shalt  }
0x7f: {  	_ =	shalt  }
0x80: {  	_ =	shalt  }
0x81: {  	_ =	shalt  }
0x82: {  	_ =	shalt  }
0x83: {  	_ =	shalt  }
0x84: {  	_ =	shalt  }
0x85: {  	_ =	shalt  }
0x86: {  	_ =	shalt  }
0x87: {  	_ =	shalt  }
.Lfunc_end0:
.L_simem_size_0:
called_computation_lowered:
.L_overlay_start_0:
0x88: {  	s2 =	sld [smem:$0x3FD9]  }
0x89: {  	s3 =	sld [smem:$0x3FFE];
	_ =	sdelay $0x1  }
0x8a: {  	s1 =	srdreg.scid  }
0x8b: {  	s0 =	sand.u32 $0x1, s1  }
0x8c: {  	s17 =	sshll.u32 s0, $0xA;
	s2 =	sadd.s32 s3, s2  }
0x8d: {  	s2 =	sadd.s32 s2, s17  }
0x8e: {  	[smem:$0x3FB9] =	sst s2  }
0x8f: {  	_ = 	snop  }
0x90: {  	s18 =	sld [smem:$0x3FD0];
	(tm) =	ssettm $0x1  }
0x91: {  	s19 =	sld [smem:$0x3FFB];
	_ =	sdelay $0x3  }
0x92: {  	_ =	strace s19  }
0x93: {  	s2 =	sld [smem:$0x3FFC];
	_ =	sdelay $0x3  }
0x94: {  	_ =	strace s2  }
0x95: {  	s2 =	sld [smem:$0x3FFD];
	_ =	sdelay $0x3  }
0x96: {  	_ =	strace s2  }
0x97: {  	_ =	strace $0x8FFFFFFF  }
0x98: {  	s20 =	sld [smem:$0x3FDB];
	_ =	sdelay $0x1  }
0x99: {  	s4 =	simm.s32 $_scs_section_size  }
0x9a: {  	s5 =	simm.s32 $_size__tile_overlayer_lowered;
	s6 =	simm.s32 $_tile_overlayer_lowered  }
0x9b: {  	s7 =	simm.s32 $0x1BFF;
	s21 =	sshll.u32 s6, $0x1;
	s4 =	sadd.s32 s4, s20  }
0x9c: {  	s22 =	simm.s32 $0x0;
	s5 =	sshll.u32 s5, $0x1;
	s6 =	sadd.s32 s21, s4  }
0x9d: {  	[timem:s22], [sflag:s7] =	dma.local [hbm:s6], s5  }
0x9e: {  	_ =	swait.ge [sflag:s7], s5  }
0x9f: {  	s5 =	ssub.s32 $0x0, s5;
	[sflag:s7] =	ssyncset.done $0x0  }
0xa0: {  	[sflag:s7] =	ssyncadd.s32 s5;
	_ =	sdelay $0x1  }
0xa1: {  	s23 =	simm.s32 $0x1B8B  }
0xa2: {  	_ =	swait.ge [sflag:s23], $0x1  }
0xa3: {  	[sflag:s23] =	ssyncset.done $0x0  }
0xa4: {  	[sflag:s23] =	ssyncadd.s32 $0xFFFFFFFF  }
0xa5: {  	s5 =	sld [smem:$0x0]  }
0xa6: {  	s6 =	sand.u32 $0xFFFFFFFE, s1  }
0xa7: {  	p0 =	sne.s32 s1, s6  }
0xa8: {  	s6 =	sshll.u32 @p0 s6, $0xE  }
0xa9: {  	s6 =	sadd.s32 @p0 $0x11B8D, s6;
	s7 =	sshll.u32 @p0 s5, $0x11  }
0xaa: {  	s6 =	sor.u32 @p0 s7, s6  }
0xab: {  	[sflag:s6] =	ssyncadd.remote.s32 @p0 $0x1;
	_ =	sdelay $0x1  }
0xac: {  	s6 =	simm.s32 @p0 $0x1B8D  }
0xad: {  	_ =	swait.eq @p0 [sflag:s6], $0x1  }
0xae: {  	[sflag:s6] =	ssyncadd.s32 @p0 $0xFFFFFFFF  }
0xaf: {  	s7 =	sshll.u32 @!p0 s1, $0xE  }
0xb0: {  	s7 =	sor.u32 @!p0 $0x4000, s7;
	s6 =	simm.s32 @!p0 $0x1B8D  }
0xb1: {  	s5 =	sshll.u32 @!p0 s5, $0x11;
	s7 =	sadd.s32 @!p0 $0x11B8D, s7;
	_ =	swait.eq @!p0 [sflag:s6], $0x1  }
0xb2: {  	s5 =	sor.u32 @!p0 s5, s7;
	[sflag:s6] =	ssyncadd.s32 @!p0 $0xFFFFFFFF  }
0xb3: {  	s25 =	simm.s32 $0x1B8E;
	s24 =	sld [smem:$0x3FFE];
	[sflag:s5] =	ssyncadd.remote.s32 @!p0 $0x1  }
0xb4: {  	s26 =	simm.s32 $execute0_lowered;
	[smem:$0x3FD2] =	sst s25  }
0xb5: {  	s6 =	sshll.u32 s26, $0x1;
	_ =	strace $0x80000049;
	[dreg:$0x1] =	wrdreg $0xFFFFFFFF  }
0xb6: {  	s28 =	simm.s32 $_size_execute0_lowered;
	s4 =	sadd.s32 s4, s6;
	[dreg:$0x0] =	wrdreg $0x0  }
0xb7: {  	s6 =	sshll.u32 s28, $0x1;
	[dreg:$0x2] =	wrdreg s4  }
0xb8: {  	[dreg:$0x3] =	wrdreg s6  }
0xb9: {  	[dreg:$0x4] =	wrdreg $0xC0  }
0xba: {  	_ =	task [dreg:s22], $0x5FFFF  }
0xbb: {  	[dreg:$0x1] =	wrdreg $0xFFFFFFFF  }
0xbc: {  	[dreg:$0x0] =	wrdreg $0x60  }
0xbd: {  	[dreg:$0x2] =	wrdreg s18  }
0xbe: {  	[dreg:$0x3] =	wrdreg s24  }
0xbf: {  	[dreg:$0x4] =	wrdreg $0x77800  }
0xc0: {  	[dreg:$0x5] =	wrdreg $0x9  }
0xc1: {  	_ =	task.clear_ibuf [dreg:s22], $0x6FFFF;
	_ =	strace $0x90000049  }
0xc2: {  	s29 =	simm.s32 $0x9;
	_ =	strace $0x8000004B  }
0xc3: {  	_ =	swait.ge [sflag:s29], $0x1  }
0xc4: {  	[sflag:s29] =	ssyncadd.s32 $0xFFFFFFFF  }
0xc5: {  	_ =	strace $0x9000004B  }
0xc6: {  	_ =	sfence  }
0xc7: {  	s30 =	sld [smem:$0x0];
	_ =	sdelay $0x2  }
0xc8: {  	s31 =	sshll.u32 s1, $0xD;
	s1 =	sshrl.u32 s1, $0x2  }
0xc9: {  	s4 =	sand.u32 $0x4000, s31;
	s1 =	sadd.s32 s1, s30  }
0xca: {  	s0 =	sor.u32 s4, s0;
	s1 =	sshll.u32 s1, $0x11  }
0xcb: {  	s0 =	sor.u32 s1, s0  }
0xcc: {  	s0 =	sadd.s32 $0x8F2B, s0  }
0xcd: {  	[sflag:s0] =	ssyncadd.remote.s32 $0x1  }
0xce: {  	_ =	sfence.sel $0xFFFF  }
0xcf: {  	[dreg:$0x0] =	wrdreg $0xFFFFFFFF;
	(pc) =	sbr.abs _section_cstart, $3  }
0xd0: {  	[dreg:$0x1] =	wrdreg $0xFFFFFFFF  }
0xd1: {  	_ =	task.clear_ibuf [dreg:s22], $0x2FFFF;
	_ =	strace $0x9FFFFFFF  }
0xd2: {  	(tm) =	ssettm $0x7FFFFFFF  }
0xd3: {  	_ =	shalt  }
tec
execute0_lowered:
.L_overlay_start_1:
0x0: {  	(tag) =	ssettag $0x1  }
0x1: {  	s1 =	rddreg [dreg:$0x0]  }
0x2: {  	s6 =	rddreg [dreg:$0x1]  }
0x3: {  	s3 =	rddreg [dreg:$0x2]  }
0x4: {  	s0 =	rddreg [dreg:$0x3]  }
0x5: {  	s5 =	srdreg.scid;
	s2 =	stileid.u32;
	s4 =	simm.s32 $0x0  }
0x6: {  	s14 =	simm.s32 $0x3;
	s15 =	simm.s32 $0x50;
	s16 =	simm.s32 $0x2780  }
0x7: {  	s17 =	simm.s32 $0x4F80;
	s18 =	simm.s32 $0x1;
	s19 =	simm.s32 $0x2  }
0x8: {  	s20 =	simm.s32 $0x26C0;
	s21 =	simm.s32 $0x0;
	s7 =	sand.u32 $0x1, s5  }
0x9: {  	s8 =	smul.u32 $0x2710, s2;
	[smem:$0x7FF] =	sst s4;
	s5 =	sadd.s32 $0x16600, s6  }
0xa: {  	s12 =	smul.u32 $0x138800, s2;
	s13 =	sadd.s32 $0x51F800, s6;
	p0 =	seq.s32 s2, $0x0  }
0xb: {  	s9 =	smul.u32 $0x4E200, s7;
	_ =	strace $0x8000004A;
	s29 =	ssub.s32 $0x2, s7  }
0xc: {  	s10 =	smul.u32 $0x1388000, s7;
	p1 =	seq.s32 s7, $0x1;
	s30 =	sor.u32 s7, s2  }
0xd: {  	s11 =	sshrl.u32 s29, $0x1;
	p0 =	por !p0, !p1;
	p1 =	sne.s32 s30, $0x0  }
0xe: {  	s8 =	sadd.s32 s8, s9;
	s9 =	ssub.s32 s29, s11;
	s10 =	sadd.s32 s12, s10  }
0xf: {  	p0 =	por !p0, !p0;
	s11 =	sshll.u32 @!p1 s2, $0x6;
	s12 =	sshrl.u32 @!p1 s3, $0x3  }
0x10: {  	s8 =	sshrl.u32 s8, $0x3;
	s31 =	sshrl.u32 s10, $0x3;
	s10 =	sadd.s32 $0x2800, s10  }
0x11: {  	s9 =	smax.u32 s9, $0x1;
	s11 =	sor.u32 @!p1 $0x1C03, s11;
	s8 =	sadd.s32 s8, s6  }
0x12: {  	s7 =	sadd.s32 s31, s13;
	s10 =	sshrl.u32 s10, $0x3;
	s6 =	sadd.s32 $0x2C00, s8  }
0x13: {  	s8 =	sadd.s32 $0x26C00, s7;
	s10 =	sadd.s32 s10, s13;
	s13 =	sshrl.u32 @p0 s3, $0x3  }
.LBB2_1:
0x14: {  	[spmem:s12], [sflag:s11] =	dma.local @!p1 [hbm:s1], $0x27100  }
0x15: {  	s22 =	simm.s32 @!p1 $0x3  }
0x16: {  	_ =	swait.ge @!p1 [sflag:s22], $0x27100  }
0x17: {  	[sflag:s22] =	ssyncset.done @!p1 $0x0  }
0x18: {  	[sflag:s22] =	ssyncadd.s32 @!p1 $0xFFFD8F00;
	s22 =	simm.s32 @p0 $0x1C03  }
0x19: {  	[spmem:s13], [sflag:s22] =	dma.local @p0 [hbm:s5], $0x27100  }
0x1a: {  	s22 =	simm.s32 @p0 $0x3  }
0x1b: {  	_ =	swait.ge @p0 [sflag:s22], $0x27100  }
0x1c: {  	[sflag:s22] =	ssyncset.done @p0 $0x0  }
0x1d: {  	[sflag:s22] =	ssyncadd.s32 @p0 $0xFFFD8F00  }
0x1e: {  	[tilespmem:s4], [sflag:$0x3] =	stream.linear.gather [hbm4b:s6+s4], $0x2710, $0x38;
	[tilespmem:$0x1B000] =	vst v63  }
0x1f: {  	_ =	swait.ge [sflag:s14], $0x2710  }
0x20: {  	[sflag:s14] =	ssyncset.done $0x0  }
0x21: {  	[sflag:s14] =	ssyncadd.s32 $0xFFFFD8F0  }
0x22: {  	s29 =	simm.s32 $0x0;
	[bflag:$0x0] =	sbarrier.arrive $0xFFFF  }
0x23: {  	[tilespmem:s16], [sflag:$0x1] =	stream.indirect.gather [spmem:s3], $0x80, s29, s15, $0xb8;
	[tilespmem:$0x1B000] =	vst v63  }
0x24: {  	_ = 	snop  }
0x25: {  	[tilespmem:s17], [sflag:$0x1] =	stream.indirect.gather [spmem:s3], $0x80, s15, s15, $0xb8;
	[tilespmem:$0x1B000] =	vst v63  }
0x26: {  	_ =	swait.ge [sflag:s18], $0x2800  }
0x27: {  	[sflag:s18] =	ssyncset.done $0x0  }
0x28: {  	s30 =	sadd.s32 $0x0, s7;
	[sflag:s18] =	ssyncadd.s32 $0xFFFFD800  }
0x29: {  	[hbm4b:s30+s4] =	stream.linear.scatter [tilespmem:s16], [sflag:$0x2], $0x2800, $0x38;
	[tilespmem:$0x1B000] =	vst v63  }
0x2a: {  	_ =	swait.ge [sflag:s18], $0x2800  }
0x2b: {  	[sflag:s18] =	ssyncset.done $0x0  }
0x2c: {  	s31 =	sadd.s32 $0x0, s10;
	[sflag:s18] =	ssyncadd.s32 $0xFFFFD800  }
0x2d: {  	[hbm4b:s31+s4] =	stream.linear.scatter [tilespmem:s17], [sflag:$0x2], $0x2800, $0x38;
	[tilespmem:$0x1B000] =	vst v63  }
0x2e: {  	_ =	swait.ge [sflag:s19], $0x2800  }
0x2f: {  	[sflag:s19] =	ssyncset.done $0x0  }
0x30: {  	[sflag:s19] =	ssyncadd.s32 $0xFFFFD800  }
0x31: {  	s24 =	simm.s32 $0x1400;
	_ =	swait.ge [sflag:s19], $0x2800  }
0x32: {  	s23 =	simm.s32 $0xF0;
	s22 =	simm.s32 $0xA00;
	[sflag:s19] =	ssyncset.done $0x0  }
.LBB2_2:
0x33: {  	p2 =	sne.s32 s24, $0x26200;
	s25 =	sadd.s32 $0xFFFFFFB0, s23;
	[sflag:s19] =	ssyncadd.s32 $0xFFFFD800  }
0x34: {  	[tilespmem:s16], [sflag:$0x1] =	stream.indirect.gather [spmem:s3], $0x80, s25, s15, $0xb8;
	[tilespmem:$0x1B000] =	vst v63  }
0x35: {  	s25 =	smov.u32 s24;
	s24 =	sadd.s32 $0xA00, s24  }
0x36: {  	[tilespmem:s17], [sflag:$0x1] =	stream.indirect.gather [spmem:s3], $0x80, s23, s15, $0xb8;
	[tilespmem:$0x1B000] =	vst v63  }
0x37: {  	_ =	swait.ge [sflag:s18], $0x2800  }
0x38: {  	[sflag:s18] =	ssyncset.done $0x0  }
0x39: {  	s26 =	sadd.s32 s22, s7;
	[sflag:s18] =	ssyncadd.s32 $0xFFFFD800  }
0x3a: {  	[hbm4b:s26+s4] =	stream.linear.scatter [tilespmem:s16], [sflag:$0x2], $0x2800, $0x38;
	[tilespmem:$0x1B000] =	vst v63  }
0x3b: {  	_ =	swait.ge [sflag:s18], $0x2800  }
0x3c: {  	[sflag:s18] =	ssyncset.done $0x0  }
0x3d: {  	s26 =	sadd.s32 s22, s10;
	s22 =	smov.u32 s25;
	[sflag:s18] =	ssyncadd.s32 $0xFFFFD800  }
0x3e: {  	[hbm4b:s26+s4] =	stream.linear.scatter [tilespmem:s17], [sflag:$0x2], $0x2800, $0x38;
	[tilespmem:$0x1B000] =	vst v63  }
.Ltmp0:
0x3f: {  	_ =	swait.ge [sflag:s19], $0x2800;
	(pc) =	sbr.rel @p2 .LBB2_2-.Ltmp0, $4  }
0x40: {  	[sflag:s19] =	ssyncset.done $0x0  }
0x41: {  	[sflag:s19] =	ssyncadd.s32 $0xFFFFD800  }
0x42: {  	_ =	swait.ge [sflag:s19], $0x2800  }
0x43: {  	s23 =	sadd.s32 $0xA0, s23;
	[sflag:s19] =	ssyncset.done $0x0  }
0x44: {  	s24 =	sadd.s32 $0xFFFFFFB0, s23;
	[sflag:s19] =	ssyncadd.s32 $0xFFFFD800  }
0x45: {  	[tilespmem:s16], [sflag:$0x1] =	stream.indirect.gather [spmem:s3], $0x80, s24, s15, $0xb8;
	[tilespmem:$0x1B000] =	vst v63  }
0x46: {  	_ = 	snop  }
0x47: {  	[tilespmem:s17], [sflag:$0x1] =	stream.indirect.gather [spmem:s3], $0x80, s23, s15, $0xb8;
	[tilespmem:$0x1B000] =	vst v63  }
0x48: {  	_ =	swait.ge [sflag:s18], $0x2800  }
0x49: {  	[sflag:s18] =	ssyncset.done $0x0  }
0x4a: {  	s30 =	sadd.s32 s22, s7;
	[sflag:s18] =	ssyncadd.s32 $0xFFFFD800  }
0x4b: {  	[hbm4b:s30+s4] =	stream.linear.scatter [tilespmem:s16], [sflag:$0x2], $0x2800, $0x38;
	[tilespmem:$0x1B000] =	vst v63  }
0x4c: {  	_ =	swait.ge [sflag:s18], $0x2800  }
0x4d: {  	[sflag:s18] =	ssyncset.done $0x0  }
0x4e: {  	s31 =	sadd.s32 s22, s10;
	[sflag:s18] =	ssyncadd.s32 $0xFFFFD800  }
0x4f: {  	[hbm4b:s31+s4] =	stream.linear.scatter [tilespmem:s17], [sflag:$0x2], $0x2800, $0x38;
	[tilespmem:$0x1B000] =	vst v63  }
0x50: {  	_ =	swait.ge [sflag:s19], $0x2800  }
0x51: {  	[sflag:s19] =	ssyncset.done $0x0  }
0x52: {  	[sflag:s19] =	ssyncadd.s32 $0xFFFFD800  }
0x53: {  	_ =	swait.ge [sflag:s19], $0x2800  }
0x54: {  	[sflag:s19] =	ssyncset.done $0x0  }
0x55: {  	[sflag:s19] =	ssyncadd.s32 $0xFFFFD800  }
0x56: {  	[tilespmem:s16], [sflag:$0x1] =	stream.indirect.gather [spmem:s3], $0x80, s20, s15, $0xb8;
	[tilespmem:$0x1B000] =	vst v63  }
0x57: {  	s21 =	sadd.s32 $0x1, s21;
	_ =	swait.ge [sflag:s18], $0x2800  }
0x58: {  	p2 =	sne.s32 s21, s9;
	[sflag:s18] =	ssyncset.done $0x0  }
.Ltmp1:
0x59: {  	[sflag:s18] =	ssyncadd.s32 $0xFFFFD800;
	(pc) =	sbr.rel @p2 .LBB2_1-.Ltmp1, $4  }
0x5a: {  	[hbm4b:s8+s4] =	stream.linear.scatter [tilespmem:s16], [sflag:$0x2], $0x2800, $0x38;
	[tilespmem:$0x1B000] =	vst v63  }
0x5b: {  	_ =	swait.ge [sflag:s19], $0x2800  }
0x5c: {  	[sflag:s19] =	ssyncset.done $0x0  }
0x5d: {  	[sflag:s19] =	ssyncadd.s32 $0xFFFFD800  }
0x5e: {  	_ =	sfence.sel $0x180000  }
0x5f: {  	[bflag:$0x0] =	sbarrier.arrive $0xFFFF  }
0x60: {  	p0 =	sne.s32 s2, $0x0;
	_ =	strace $0x9000004A  }
0x61: {  	s0 =	sadd.s32 @!p0 $0x100000, s0;
	[bflag:$0x2] =	sbarrier.arrive $0xFFFF  }
0x62: {  	[sflag:s0] =	ssyncadd.tile.s32 @!p0 $0x1;
	_ =	shalt  }
.Lfunc_end2:
_tile_overlayer_lowered:
.L_overlay_start_2:
0x63: {  	(tag) =	ssettag $0x2  }
0x64: {  	s0 =	rddreg [dreg:$0x0];
	s2 =	stileid.u32  }
0x65: {  	s1 =	rddreg [dreg:$0x1];
	p0 =	sne.s32 s2, $0x0  }
0x66: {  	s3 =	rddreg [dreg:$0x2];
	[bflag:$0x3] =	sbarrier.arrive $0xFFFF;
	s2 =	simm.s32 @!p0 $0x1C03  }
0x67: {  	[timem:s3], [sflag:s2] =	dma.local @!p0 [hbm:s0], s1  }
0x68: {  	s0 =	simm.s32 @!p0 $0x3  }
0x69: {  	_ =	swait.ge @!p0 [sflag:s0], s1  }
0x6a: {  	s1 =	ssub.s32 @!p0 $0x0, s1;
	[sflag:s0] =	ssyncset.done @!p0 $0x0  }
0x6b: {  	[sflag:s0] =	ssyncadd.s32 @!p0 s1  }
0x6c: {  	[bflag:$0x3] =	sbarrier.arrive $0xFFFF  }
0x6d: {  	_ =	shalt  }

// kernel: kernel.19.cloned.1.call-start
scs
__scs_entry_jumppad:
0x0: {  	(pc) =	sbr.rel $0x88, $3  }
0x1: {  	(tag) =	ssettag $0x0;
	lr =	simm.s32 $0x1  }
0x2: {  	[smem:$0x3F92] =	sst lr;
	_ =	strace $0xD0000000  }
0x3: {  	_ = 	snop  }
0x4: {  	_ = 	snop  }
0x5: {  	_ = 	snop  }
0x6: {  	_ = 	snop  }
0x7: {  	_ = 	snop  }
__scs_overlays_trampoline_lowered:
0x8: {  	[smem:$0x3FA1] =	sst s0  }
0x9: {  	[smem:$0x3FA2] =	sst s1  }
0xa: {  	[smem:$0x3FA3] =	sst s2  }
0xb: {  	[smem:$0x3FA4] =	sst s3  }
0xc: {  	[smem:$0x3FA5] =	sst s4  }
0xd: {  	[smem:$0x3FA6] =	sst s5  }
0xe: {  	[smem:$0x3FA7] =	sst s6  }
0xf: {  	[smem:$0x3FA8] =	sst s7  }
0x10: {  	[smem:$0x3FA9] =	sst s8  }
0x11: {  	[smem:$0x3FAA] =	sst s9;
	s0 =	simm.s32 @!p0 $0x0  }
0x12: {  	s1 =	sld [smem:$0x3F90];
	s0 =	simm.s32 @p0 $0x1  }
0x13: {  	[smem:$0x3FAB] =	sst s0;
	s0 =	simm.s32 @!p1 $0x0  }
0x14: {  	s2 =	sld [smem:$0x3F8F];
	s0 =	simm.s32 @p1 $0x1  }
0x15: {  	[smem:$0x3FAC] =	sst s0;
	s0 =	simm.s32 @!p2 $0x0  }
0x16: {  	s3 =	sld [smem:$0x3FDB];
	s0 =	simm.s32 @p2 $0x1  }
0x17: {  	s4 =	simm.s32 $0x1BF5;
	[smem:$0x3FAE] =	sst s0  }
0x18: {  	s0 =	sld [smem:$0x3F91];
	_ =	swait.ge [sflag:s4], $0x0  }
0x19: {  	s7 =	sld [smem:$0x3F92]  }
0x1a: {  	s8 =	sadd.s32 $0xFFFFE003, lr  }
0x1b: {  	s9 =	sadd.s32 $0xFFFFFEF7, lr;
	s5 =	simm.s32 $0xFFFFFFFF;
	p2 =	slt.u32 s8, $0xFFFFF086  }
0x1c: {  	p1 =	slt.u32 s9, $0xF7A;
	s5 =	simm.s32 @!p2 $0x0  }
0x1d: {  	s5 =	simm.s32 @p1 $0x1;
	p0 =	seq.s32 s7, s2  }
0x1e: {  	s7 =	smul.u32 @!p0 $0xF7A, s2;
	p2 =	seq.s32 @!p0 s5, $0x0  }
0x1f: {  	s9 =	smul.u32 $0xF7A, s1;
	s8 =	simm.s32 @!p0 $0x1BF5;
	p2 =	por !p2, p0  }
0x20: {  	[sflag:s8] =	ssyncset.s32 @!p0 $0xFFFFF086;
	s6 =	sadd.s32 @!p0 s3, s7;
	s7 =	simm.s32 @!p0 $0x108  }
0x21: {  	s3 =	sadd.s32 s3, s9;
	s6 =	sadd.s32 @!p0 $0x88, s6;
	s7 =	simm.s32 @p2 $0x1082  }
0x22: {  	[simem:s7], [sflag:s8] =	dma.local @!p0 [hbm:s6], $0xF7A  }
0x23: {  	s9 =	sor.u32 $0xD0000000, s2;
	s6 =	simm.s32 $0x108;
	_ =	swait.ge @!p0 [sflag:s8], $0x0  }
0x24: {  	s3 =	sadd.s32 $0x88, s3;
	s6 =	simm.s32 @!p1 $0x1082;
	[sflag:s4] =	ssyncset.s32 $0xFFFFF086  }
0x25: {  	[simem:s6], [sflag:s4] =	dma.local [hbm:s3], $0xF7A  }
0x26: {  	[smem:$0x3F92] =	sst s1;
	(tag) =	ssettag s2;
	_ =	strace s9  }
0x27: {  	s1 =	sld [smem:$0x3FA2]  }
0x28: {  	s2 =	sld [smem:$0x3FA3]  }
0x29: {  	s4 =	sld [smem:$0x3FA5]  }
0x2a: {  	p0 =	seq.s32 s5, $0x0;
	s5 =	sld [smem:$0x3FA6]  }
0x2b: {  	s6 =	sld [smem:$0x3FA7]  }
0x2c: {  	s7 =	sld [smem:$0x3FA8]  }
0x2d: {  	s3 =	simm.s32 $0x108;
	s8 =	sld [smem:$0x3FA9]  }
0x2e: {  	s3 =	simm.s32 @!p0 $0x1082;
	s9 =	sld [smem:$0x3FAA]  }
0x2f: {  	lr =	sadd.s32 s0, s3;
	s0 =	sld [smem:$0x3FA1]  }
0x30: {  	s3 =	sld [smem:$0x3FA4]  }
0x31: {  	[smem:$0x3FAD] =	sst s10  }
0x32: {  	s10 =	sld [smem:$0x3FAB];
	_ =	sdelay $0x3  }
0x33: {  	p0 =	seq.s32 s10, $0x1;
	s10 =	sld [smem:$0x3FAD];
	_ =	sdelay $0x3  }
0x34: {  	[smem:$0x3FAD] =	sst s10  }
0x35: {  	s10 =	sld [smem:$0x3FAC];
	_ =	sdelay $0x3  }
0x36: {  	p1 =	seq.s32 s10, $0x1;
	s10 =	sld [smem:$0x3FAD];
	_ =	sdelay $0x3  }
0x37: {  	[smem:$0x3FAD] =	sst s10  }
0x38: {  	s10 =	sld [smem:$0x3FAE]  }
0x39: {  	_ = 	snop;
	(pc) =	sbr.ind lr, $3  }
0x3a: {  	_ = 	snop  }
0x3b: {  	_ = 	snop  }
0x3c: {  	p2 =	seq.s32 s10, $0x1;
	s10 =	sld [smem:$0x3FAD]  }
0x3d: {  	_ =	shalt  }
0x3e: {  	_ =	shalt  }
0x3f: {  	_ =	shalt  }
0x40: {  	_ =	shalt  }
0x41: {  	_ =	shalt  }
0x42: {  	_ =	shalt  }
0x43: {  	_ =	shalt  }
0x44: {  	_ =	shalt  }
0x45: {  	_ =	shalt  }
0x46: {  	_ =	shalt  }
0x47: {  	_ =	shalt  }
0x48: {  	_ =	shalt  }
0x49: {  	_ =	shalt  }
0x4a: {  	_ =	shalt  }
0x4b: {  	_ =	shalt  }
0x4c: {  	_ =	shalt  }
0x4d: {  	_ =	shalt  }
0x4e: {  	_ =	shalt  }
0x4f: {  	_ =	shalt  }
0x50: {  	_ =	shalt  }
0x51: {  	_ =	shalt  }
0x52: {  	_ =	shalt  }
0x53: {  	_ =	shalt  }
0x54: {  	_ =	shalt  }
0x55: {  	_ =	shalt  }
0x56: {  	_ =	shalt  }
0x57: {  	_ =	shalt  }
0x58: {  	_ =	shalt  }
0x59: {  	_ =	shalt  }
0x5a: {  	_ =	shalt  }
0x5b: {  	_ =	shalt  }
0x5c: {  	_ =	shalt  }
0x5d: {  	_ =	shalt  }
0x5e: {  	_ =	shalt  }
0x5f: {  	_ =	shalt  }
0x60: {  	_ =	shalt  }
0x61: {  	_ =	shalt  }
0x62: {  	_ =	shalt  }
0x63: {  	_ =	shalt  }
0x64: {  	_ =	shalt  }
0x65: {  	_ =	shalt  }
0x66: {  	_ =	shalt  }
0x67: {  	_ =	shalt  }
0x68: {  	_ =	shalt  }
0x69: {  	_ =	shalt  }
0x6a: {  	_ =	shalt  }
0x6b: {  	_ =	shalt  }
0x6c: {  	_ =	shalt  }
0x6d: {  	_ =	shalt  }
0x6e: {  	_ =	shalt  }
0x6f: {  	_ =	shalt  }
0x70: {  	_ =	shalt  }
0x71: {  	_ =	shalt  }
0x72: {  	_ =	shalt  }
0x73: {  	_ =	shalt  }
0x74: {  	_ =	shalt  }
0x75: {  	_ =	shalt  }
0x76: {  	_ =	shalt  }
0x77: {  	_ =	shalt  }
0x78: {  	_ =	shalt  }
0x79: {  	_ =	shalt  }
0x7a: {  	_ =	shalt  }
0x7b: {  	_ =	shalt  }
0x7c: {  	_ =	shalt  }
0x7d: {  	_ =	shalt  }
0x7e: {  	_ =	shalt  }
0x7f: {  	_ =	shalt  }
0x80: {  	_ =	shalt  }
0x81: {  	_ =	shalt  }
0x82: {  	_ =	shalt  }
0x83: {  	_ =	shalt  }
0x84: {  	_ =	shalt  }
0x85: {  	_ =	shalt  }
0x86: {  	_ =	shalt  }
0x87: {  	_ =	shalt  }
.Lfunc_end0:
.L_simem_size_0:
called_computation.1_lowered:
.L_overlay_start_0:
0x88: {  	s2 =	sld [smem:$0x3FD9]  }
0x89: {  	s3 =	sld [smem:$0x3FFE];
	_ =	sdelay $0x1  }
0x8a: {  	s1 =	srdreg.scid  }
0x8b: {  	s0 =	sand.u32 $0x1, s1  }
0x8c: {  	s17 =	sshll.u32 s0, $0xA;
	s2 =	sadd.s32 s3, s2  }
0x8d: {  	s2 =	sadd.s32 s2, s17  }
0x8e: {  	[smem:$0x3FB9] =	sst s2  }
0x8f: {  	_ = 	snop  }
0x90: {  	s2 =	sld [smem:$0x3FD0];
	(tm) =	ssettm $0x1  }
0x91: {  	s18 =	sld [smem:$0x3FFB];
	_ =	sdelay $0x3  }
0x92: {  	_ =	strace s18  }
0x93: {  	s3 =	sld [smem:$0x3FFC];
	_ =	sdelay $0x3  }
0x94: {  	_ =	strace s3  }
0x95: {  	s3 =	sld [smem:$0x3FFD];
	_ =	sdelay $0x3  }
0x96: {  	_ =	strace s3  }
0x97: {  	_ =	strace $0x8FFFFFFF  }
0x98: {  	s19 =	sld [smem:$0x3FDB];
	_ =	sdelay $0x1  }
0x99: {  	s4 =	simm.s32 $_scs_section_size  }
0x9a: {  	s5 =	simm.s32 $_size__tile_overlayer_lowered;
	s6 =	simm.s32 $_tile_overlayer_lowered  }
0x9b: {  	s22 =	simm.s32 $0x1BFF;
	s21 =	sshll.u32 s6, $0x1;
	s3 =	sadd.s32 s4, s19  }
0x9c: {  	s7 =	simm.s32 $0x0;
	s20 =	sshll.u32 s5, $0x1;
	s5 =	sadd.s32 s21, s3  }
0x9d: {  	[timem:s7], [sflag:s22] =	dma.local [hbm:s5], s20  }
0x9e: {  	_ =	swait.ge [sflag:s22], s20  }
0x9f: {  	s4 =	ssub.s32 $0x0, s20;
	[sflag:s22] =	ssyncset.done $0x0  }
0xa0: {  	[sflag:s22] =	ssyncadd.s32 s4;
	_ =	sdelay $0x1  }
0xa1: {  	s23 =	simm.s32 $0x1B8B  }
0xa2: {  	_ =	swait.ge [sflag:s23], $0x1  }
0xa3: {  	[sflag:s23] =	ssyncset.done $0x0  }
0xa4: {  	s25 =	simm.s32 $0x1B8E;
	s24 =	sld [smem:$0x3FFE];
	[sflag:s23] =	ssyncadd.s32 $0xFFFFFFFF  }
0xa5: {  	s26 =	simm.s32 $execute0_lowered;
	[smem:$0x3FD2] =	sst s25  }
0xa6: {  	s5 =	sshll.u32 s26, $0x1;
	_ =	strace $0x80000046;
	[dreg:$0x1] =	wrdreg $0xFFFFFFFF  }
0xa7: {  	s28 =	simm.s32 $_size_execute0_lowered;
	s3 =	sadd.s32 s3, s5;
	[dreg:$0x0] =	wrdreg $0x0  }
0xa8: {  	s5 =	sshll.u32 s28, $0x1;
	[dreg:$0x2] =	wrdreg s3  }
0xa9: {  	[dreg:$0x3] =	wrdreg s5  }
0xaa: {  	[dreg:$0x4] =	wrdreg $0xC0  }
0xab: {  	_ =	task [dreg:s7], $0x5FFFF  }
0xac: {  	[dreg:$0x1] =	wrdreg $0xFFFFFFFF  }
0xad: {  	[dreg:$0x0] =	wrdreg $0x60  }
0xae: {  	[dreg:$0x2] =	wrdreg s2  }
0xaf: {  	[dreg:$0x3] =	wrdreg s24  }
0xb0: {  	[dreg:$0x4] =	wrdreg $0x77800  }
0xb1: {  	[dreg:$0x5] =	wrdreg $0xA  }
0xb2: {  	_ =	task.clear_ibuf [dreg:s7], $0x6FFFF;
	_ =	strace $0x90000046  }
0xb3: {  	s29 =	simm.s32 $0xA;
	_ =	strace $0x80000048  }
0xb4: {  	_ =	swait.ge [sflag:s29], $0x1  }
0xb5: {  	[sflag:s29] =	ssyncadd.s32 $0xFFFFFFFF  }
0xb6: {  	_ =	strace $0x90000048  }
0xb7: {  	_ =	sfence  }
0xb8: {  	s30 =	sld [smem:$0x0];
	_ =	sdelay $0x2  }
0xb9: {  	s31 =	sshll.u32 s1, $0xD;
	s1 =	sshrl.u32 s1, $0x2  }
0xba: {  	s3 =	sand.u32 $0x4000, s31;
	s1 =	sadd.s32 s1, s30  }
0xbb: {  	s0 =	sor.u32 s3, s0;
	s1 =	sshll.u32 s1, $0x11  }
0xbc: {  	s0 =	sor.u32 s1, s0  }
0xbd: {  	s0 =	sadd.s32 $0x8F2B, s0  }
0xbe: {  	[sflag:s0] =	ssyncadd.remote.s32 $0x1  }
0xbf: {  	_ =	sfence.sel $0xFFFF  }
0xc0: {  	[dreg:$0x0] =	wrdreg $0xFFFFFFFF;
	(pc) =	sbr.abs _section_cstart, $3  }
0xc1: {  	[dreg:$0x1] =	wrdreg $0xFFFFFFFF  }
0xc2: {  	_ =	task.clear_ibuf [dreg:s7], $0x2FFFF;
	_ =	strace $0x9FFFFFFF  }
0xc3: {  	(tm) =	ssettm $0x7FFFFFFF  }
tec
execute0_lowered:
.L_overlay_start_1:
0x0: {  	(tag) =	ssettag $0x1  }
0x1: {  	s1 =	rddreg [dreg:$0x0]  }
0x2: {  	s6 =	rddreg [dreg:$0x1]  }
0x3: {  	s2 =	rddreg [dreg:$0x2]  }
0x4: {  	s0 =	rddreg [dreg:$0x3]  }
0x5: {  	s4 =	simm.s32 $0x0;
	s5 =	srdreg.scid;
	s3 =	stileid.u32  }
0x6: {  	s15 =	simm.s32 $0x50;
	s16 =	simm.s32 $0x2780;
	s17 =	simm.s32 $0x4F80  }
0x7: {  	s18 =	simm.s32 $0x1;
	s19 =	simm.s32 $0x2;
	s20 =	simm.s32 $0x26C0  }
0x8: {  	s21 =	simm.s32 $0x0;
	[smem:$0x7FF] =	sst s4;
	s8 =	smul.u32 $0x2710, s3  }
0x9: {  	s7 =	sand.u32 $0x1, s5;
	s5 =	sadd.s32 $0x16600, s6;
	s28 =	smul.u32 $0x138800, s3  }
0xa: {  	s13 =	sadd.s32 $0x3D800, s6;
	p0 =	seq.s32 s3, $0x0;
	s10 =	smul.u32 $0x4E200, s7  }
0xb: {  	_ =	strace $0x80000047;
	s9 =	ssub.s32 $0x2, s7;
	s12 =	smul.u32 $0x1388000, s7  }
0xc: {  	s14 =	sor.u32 s7, s3;
	p1 =	seq.s32 s7, $0x1;
	s11 =	sshrl.u32 s9, $0x1  }
0xd: {  	p0 =	por !p0, !p1;
	p1 =	sne.s32 s14, $0x0;
	s14 =	simm.s32 $0x3  }
0xe: {  	s9 =	ssub.s32 s9, s11;
	s8 =	sadd.s32 s8, s10;
	s30 =	sadd.s32 s28, s12  }
0xf: {  	p0 =	por !p0, !p0;
	s11 =	sshll.u32 @!p1 s3, $0x6;
	s12 =	sshrl.u32 @!p1 s2, $0x3  }
0x10: {  	s29 =	sshrl.u32 s8, $0x3;
	s31 =	sshrl.u32 s30, $0x3;
	s10 =	sadd.s32 $0x2800, s30  }
0x11: {  	s9 =	smax.u32 s9, $0x1;
	s11 =	sor.u32 @!p1 $0x1C03, s11;
	s6 =	sadd.s32 s6, s29  }
0x12: {  	s7 =	sadd.s32 s31, s13;
	s10 =	sshrl.u32 s10, $0x3;
	s6 =	sadd.s32 $0x7A20, s6  }
0x13: {  	s8 =	sadd.s32 $0x26C00, s7;
	s10 =	sadd.s32 s10, s13;
	s13 =	sshrl.u32 @p0 s2, $0x3  }
.LBB2_1:
0x14: {  	[spmem:s12], [sflag:s11] =	dma.local @!p1 [hbm:s1], $0x27100  }
0x15: {  	s22 =	simm.s32 @!p1 $0x3  }
0x16: {  	_ =	swait.ge @!p1 [sflag:s22], $0x27100  }
0x17: {  	[sflag:s22] =	ssyncset.done @!p1 $0x0  }
0x18: {  	[sflag:s22] =	ssyncadd.s32 @!p1 $0xFFFD8F00;
	s22 =	simm.s32 @p0 $0x1C03  }
0x19: {  	[spmem:s13], [sflag:s22] =	dma.local @p0 [hbm:s5], $0x27100  }
0x1a: {  	s22 =	simm.s32 @p0 $0x3  }
0x1b: {  	_ =	swait.ge @p0 [sflag:s22], $0x27100  }
0x1c: {  	[sflag:s22] =	ssyncset.done @p0 $0x0  }
0x1d: {  	[sflag:s22] =	ssyncadd.s32 @p0 $0xFFFD8F00  }
0x1e: {  	[tilespmem:s4], [sflag:$0x3] =	stream.linear.gather [hbm4b:s6+s4], $0x2710, $0x38;
	[tilespmem:$0x1B000] =	vst v63  }
0x1f: {  	_ =	swait.ge [sflag:s14], $0x2710  }
0x20: {  	[sflag:s14] =	ssyncset.done $0x0  }
0x21: {  	[sflag:s14] =	ssyncadd.s32 $0xFFFFD8F0  }
0x22: {  	s29 =	simm.s32 $0x0;
	[bflag:$0x0] =	sbarrier.arrive $0xFFFF  }
0x23: {  	[tilespmem:s16], [sflag:$0x1] =	stream.indirect.gather [spmem:s2], $0x80, s29, s15, $0xb8;
	[tilespmem:$0x1B000] =	vst v63  }
0x24: {  	_ = 	snop  }
0x25: {  	[tilespmem:s17], [sflag:$0x1] =	stream.indirect.gather [spmem:s2], $0x80, s15, s15, $0xb8;
	[tilespmem:$0x1B000] =	vst v63  }
0x26: {  	_ =	swait.ge [sflag:s18], $0x2800  }
0x27: {  	[sflag:s18] =	ssyncset.done $0x0  }
0x28: {  	s30 =	sadd.s32 $0x0, s7;
	[sflag:s18] =	ssyncadd.s32 $0xFFFFD800  }
0x29: {  	[hbm4b:s30+s4] =	stream.linear.scatter [tilespmem:s16], [sflag:$0x2], $0x2800, $0x38;
	[tilespmem:$0x1B000] =	vst v63  }
0x2a: {  	_ =	swait.ge [sflag:s18], $0x2800  }
0x2b: {  	[sflag:s18] =	ssyncset.done $0x0  }
0x2c: {  	s31 =	sadd.s32 $0x0, s10;
	[sflag:s18] =	ssyncadd.s32 $0xFFFFD800  }
0x2d: {  	[hbm4b:s31+s4] =	stream.linear.scatter [tilespmem:s17], [sflag:$0x2], $0x2800, $0x38;
	[tilespmem:$0x1B000] =	vst v63  }
0x2e: {  	_ =	swait.ge [sflag:s19], $0x2800  }
0x2f: {  	[sflag:s19] =	ssyncset.done $0x0  }
0x30: {  	[sflag:s19] =	ssyncadd.s32 $0xFFFFD800  }
0x31: {  	s24 =	simm.s32 $0x1400;
	_ =	swait.ge [sflag:s19], $0x2800  }
0x32: {  	s23 =	simm.s32 $0xF0;
	s22 =	simm.s32 $0xA00;
	[sflag:s19] =	ssyncset.done $0x0  }
.LBB2_2:
0x33: {  	p2 =	sne.s32 s24, $0x26200;
	s25 =	sadd.s32 $0xFFFFFFB0, s23;
	[sflag:s19] =	ssyncadd.s32 $0xFFFFD800  }
0x34: {  	[tilespmem:s16], [sflag:$0x1] =	stream.indirect.gather [spmem:s2], $0x80, s25, s15, $0xb8;
	[tilespmem:$0x1B000] =	vst v63  }
0x35: {  	s25 =	smov.u32 s24;
	s24 =	sadd.s32 $0xA00, s24  }
0x36: {  	[tilespmem:s17], [sflag:$0x1] =	stream.indirect.gather [spmem:s2], $0x80, s23, s15, $0xb8;
	[tilespmem:$0x1B000] =	vst v63  }
0x37: {  	_ =	swait.ge [sflag:s18], $0x2800  }
0x38: {  	[sflag:s18] =	ssyncset.done $0x0  }
0x39: {  	s26 =	sadd.s32 s22, s7;
	[sflag:s18] =	ssyncadd.s32 $0xFFFFD800  }
0x3a: {  	[hbm4b:s26+s4] =	stream.linear.scatter [tilespmem:s16], [sflag:$0x2], $0x2800, $0x38;
	[tilespmem:$0x1B000] =	vst v63  }
0x3b: {  	_ =	swait.ge [sflag:s18], $0x2800  }
0x3c: {  	[sflag:s18] =	ssyncset.done $0x0  }
0x3d: {  	s26 =	sadd.s32 s22, s10;
	s22 =	smov.u32 s25;
	[sflag:s18] =	ssyncadd.s32 $0xFFFFD800  }
0x3e: {  	[hbm4b:s26+s4] =	stream.linear.scatter [tilespmem:s17], [sflag:$0x2], $0x2800, $0x38;
	[tilespmem:$0x1B000] =	vst v63  }
.Ltmp0:
0x3f: {  	_ =	swait.ge [sflag:s19], $0x2800;
	(pc) =	sbr.rel @p2 .LBB2_2-.Ltmp0, $4  }
0x40: {  	[sflag:s19] =	ssyncset.done $0x0  }
0x41: {  	[sflag:s19] =	ssyncadd.s32 $0xFFFFD800  }
0x42: {  	_ =	swait.ge [sflag:s19], $0x2800  }
0x43: {  	s23 =	sadd.s32 $0xA0, s23;
	[sflag:s19] =	ssyncset.done $0x0  }
0x44: {  	s24 =	sadd.s32 $0xFFFFFFB0, s23;
	[sflag:s19] =	ssyncadd.s32 $0xFFFFD800  }
0x45: {  	[tilespmem:s16], [sflag:$0x1] =	stream.indirect.gather [spmem:s2], $0x80, s24, s15, $0xb8;
	[tilespmem:$0x1B000] =	vst v63  }
0x46: {  	_ = 	snop  }
0x47: {  	[tilespmem:s17], [sflag:$0x1] =	stream.indirect.gather [spmem:s2], $0x80, s23, s15, $0xb8;
	[tilespmem:$0x1B000] =	vst v63  }
0x48: {  	_ =	swait.ge [sflag:s18], $0x2800  }
0x49: {  	[sflag:s18] =	ssyncset.done $0x0  }
0x4a: {  	s30 =	sadd.s32 s22, s7;
	[sflag:s18] =	ssyncadd.s32 $0xFFFFD800  }
0x4b: {  	[hbm4b:s30+s4] =	stream.linear.scatter [tilespmem:s16], [sflag:$0x2], $0x2800, $0x38;
	[tilespmem:$0x1B000] =	vst v63  }
0x4c: {  	_ =	swait.ge [sflag:s18], $0x2800  }
0x4d: {  	[sflag:s18] =	ssyncset.done $0x0  }
0x4e: {  	s31 =	sadd.s32 s22, s10;
	[sflag:s18] =	ssyncadd.s32 $0xFFFFD800  }
0x4f: {  	[hbm4b:s31+s4] =	stream.linear.scatter [tilespmem:s17], [sflag:$0x2], $0x2800, $0x38;
	[tilespmem:$0x1B000] =	vst v63  }
0x50: {  	_ =	swait.ge [sflag:s19], $0x2800  }
0x51: {  	[sflag:s19] =	ssyncset.done $0x0  }
0x52: {  	[sflag:s19] =	ssyncadd.s32 $0xFFFFD800  }
0x53: {  	_ =	swait.ge [sflag:s19], $0x2800  }
0x54: {  	[sflag:s19] =	ssyncset.done $0x0  }
0x55: {  	[sflag:s19] =	ssyncadd.s32 $0xFFFFD800  }
0x56: {  	[tilespmem:s16], [sflag:$0x1] =	stream.indirect.gather [spmem:s2], $0x80, s20, s15, $0xb8;
	[tilespmem:$0x1B000] =	vst v63  }
0x57: {  	s21 =	sadd.s32 $0x1, s21;
	_ =	swait.ge [sflag:s18], $0x2800  }
0x58: {  	p2 =	sne.s32 s21, s9;
	[sflag:s18] =	ssyncset.done $0x0  }
.Ltmp1:
0x59: {  	[sflag:s18] =	ssyncadd.s32 $0xFFFFD800;
	(pc) =	sbr.rel @p2 .LBB2_1-.Ltmp1, $4  }
0x5a: {  	[hbm4b:s8+s4] =	stream.linear.scatter [tilespmem:s16], [sflag:$0x2], $0x2800, $0x38;
	[tilespmem:$0x1B000] =	vst v63  }
0x5b: {  	_ =	swait.ge [sflag:s19], $0x2800  }
0x5c: {  	[sflag:s19] =	ssyncset.done $0x0  }
0x5d: {  	[sflag:s19] =	ssyncadd.s32 $0xFFFFD800  }
0x5e: {  	_ =	sfence.sel $0x180000  }
0x5f: {  	[bflag:$0x0] =	sbarrier.arrive $0xFFFF  }
0x60: {  	p0 =	sne.s32 s3, $0x0;
	_ =	strace $0x90000047  }
0x61: {  	s0 =	sadd.s32 @!p0 $0x100000, s0;
	[bflag:$0x2] =	sbarrier.arrive $0xFFFF  }
0x62: {  	[sflag:s0] =	ssyncadd.tile.s32 @!p0 $0x1;
	_ =	shalt  }
.Lfunc_end2:
_tile_overlayer_lowered:
.L_overlay_start_2:
0x63: {  	(tag) =	ssettag $0x2  }
0x64: {  	s0 =	rddreg [dreg:$0x0];
	s2 =	stileid.u32  }
0x65: {  	s1 =	rddreg [dreg:$0x1];
	p0 =	sne.s32 s2, $0x0  }
0x66: {  	s3 =	rddreg [dreg:$0x2];
	[bflag:$0x3] =	sbarrier.arrive $0xFFFF;
	s2 =	simm.s32 @!p0 $0x1C03  }
0x67: {  	[timem:s3], [sflag:s2] =	dma.local @!p0 [hbm:s0], s1  }
0x68: {  	s0 =	simm.s32 @!p0 $0x3  }
0x69: {  	_ =	swait.ge @!p0 [sflag:s0], s1  }
0x6a: {  	s1 =	ssub.s32 @!p0 $0x0, s1;
	[sflag:s0] =	ssyncset.done @!p0 $0x0  }
0x6b: {  	[sflag:s0] =	ssyncadd.s32 @!p0 s1  }
0x6c: {  	[bflag:$0x3] =	sbarrier.arrive $0xFFFF  }
0x6d: {  	_ =	shalt  }

// kernel: kernel.22.cloned.1.call-start
scs
__scs_entry_jumppad:
0x0: {  	(pc) =	sbr.rel $0x88, $3  }
0x1: {  	(tag) =	ssettag $0x0;
	lr =	simm.s32 $0x1  }
0x2: {  	[smem:$0x3F92] =	sst lr;
	_ =	strace $0xD0000000  }
0x3: {  	_ = 	snop  }
0x4: {  	_ = 	snop  }
0x5: {  	_ = 	snop  }
0x6: {  	_ = 	snop  }
0x7: {  	_ = 	snop  }
__scs_overlays_trampoline_lowered:
0x8: {  	[smem:$0x3FA1] =	sst s0  }
0x9: {  	[smem:$0x3FA2] =	sst s1  }
0xa: {  	[smem:$0x3FA3] =	sst s2  }
0xb: {  	[smem:$0x3FA4] =	sst s3  }
0xc: {  	[smem:$0x3FA5] =	sst s4  }
0xd: {  	[smem:$0x3FA6] =	sst s5  }
0xe: {  	[smem:$0x3FA7] =	sst s6  }
0xf: {  	[smem:$0x3FA8] =	sst s7  }
0x10: {  	[smem:$0x3FA9] =	sst s8  }
0x11: {  	[smem:$0x3FAA] =	sst s9;
	s0 =	simm.s32 @!p0 $0x0  }
0x12: {  	s1 =	sld [smem:$0x3F90];
	s0 =	simm.s32 @p0 $0x1  }
0x13: {  	[smem:$0x3FAB] =	sst s0;
	s0 =	simm.s32 @!p1 $0x0  }
0x14: {  	s2 =	sld [smem:$0x3F8F];
	s0 =	simm.s32 @p1 $0x1  }
0x15: {  	[smem:$0x3FAC] =	sst s0;
	s0 =	simm.s32 @!p2 $0x0  }
0x16: {  	s3 =	sld [smem:$0x3FDB];
	s0 =	simm.s32 @p2 $0x1  }
0x17: {  	s4 =	simm.s32 $0x1BF5;
	[smem:$0x3FAE] =	sst s0  }
0x18: {  	s0 =	sld [smem:$0x3F91];
	_ =	swait.ge [sflag:s4], $0x0  }
0x19: {  	s7 =	sld [smem:$0x3F92]  }
0x1a: {  	s8 =	sadd.s32 $0xFFFFE003, lr  }
0x1b: {  	s9 =	sadd.s32 $0xFFFFFEF7, lr;
	s5 =	simm.s32 $0xFFFFFFFF;
	p2 =	slt.u32 s8, $0xFFFFF086  }
0x1c: {  	p1 =	slt.u32 s9, $0xF7A;
	s5 =	simm.s32 @!p2 $0x0  }
0x1d: {  	s5 =	simm.s32 @p1 $0x1;
	p0 =	seq.s32 s7, s2  }
0x1e: {  	s7 =	smul.u32 @!p0 $0xF7A, s2;
	p2 =	seq.s32 @!p0 s5, $0x0  }
0x1f: {  	s9 =	smul.u32 $0xF7A, s1;
	s8 =	simm.s32 @!p0 $0x1BF5;
	p2 =	por !p2, p0  }
0x20: {  	[sflag:s8] =	ssyncset.s32 @!p0 $0xFFFFF086;
	s6 =	sadd.s32 @!p0 s3, s7;
	s7 =	simm.s32 @!p0 $0x108  }
0x21: {  	s3 =	sadd.s32 s3, s9;
	s6 =	sadd.s32 @!p0 $0x88, s6;
	s7 =	simm.s32 @p2 $0x1082  }
0x22: {  	[simem:s7], [sflag:s8] =	dma.local @!p0 [hbm:s6], $0xF7A  }
0x23: {  	s9 =	sor.u32 $0xD0000000, s2;
	s6 =	simm.s32 $0x108;
	_ =	swait.ge @!p0 [sflag:s8], $0x0  }
0x24: {  	s3 =	sadd.s32 $0x88, s3;
	s6 =	simm.s32 @!p1 $0x1082;
	[sflag:s4] =	ssyncset.s32 $0xFFFFF086  }
0x25: {  	[simem:s6], [sflag:s4] =	dma.local [hbm:s3], $0xF7A  }
0x26: {  	[smem:$0x3F92] =	sst s1;
	(tag) =	ssettag s2;
	_ =	strace s9  }
0x27: {  	s1 =	sld [smem:$0x3FA2]  }
0x28: {  	s2 =	sld [smem:$0x3FA3]  }
0x29: {  	s4 =	sld [smem:$0x3FA5]  }
0x2a: {  	p0 =	seq.s32 s5, $0x0;
	s5 =	sld [smem:$0x3FA6]  }
0x2b: {  	s6 =	sld [smem:$0x3FA7]  }
0x2c: {  	s7 =	sld [smem:$0x3FA8]  }
0x2d: {  	s3 =	simm.s32 $0x108;
	s8 =	sld [smem:$0x3FA9]  }
0x2e: {  	s3 =	simm.s32 @!p0 $0x1082;
	s9 =	sld [smem:$0x3FAA]  }
0x2f: {  	lr =	sadd.s32 s0, s3;
	s0 =	sld [smem:$0x3FA1]  }
0x30: {  	s3 =	sld [smem:$0x3FA4]  }
0x31: {  	[smem:$0x3FAD] =	sst s10  }
0x32: {  	s10 =	sld [smem:$0x3FAB];
	_ =	sdelay $0x3  }
0x33: {  	p0 =	seq.s32 s10, $0x1;
	s10 =	sld [smem:$0x3FAD];
	_ =	sdelay $0x3  }
0x34: {  	[smem:$0x3FAD] =	sst s10  }
0x35: {  	s10 =	sld [smem:$0x3FAC];
	_ =	sdelay $0x3  }
0x36: {  	p1 =	seq.s32 s10, $0x1;
	s10 =	sld [smem:$0x3FAD];
	_ =	sdelay $0x3  }
0x37: {  	[smem:$0x3FAD] =	sst s10  }
0x38: {  	s10 =	sld [smem:$0x3FAE]  }
0x39: {  	_ = 	snop;
	(pc) =	sbr.ind lr, $3  }
0x3a: {  	_ = 	snop  }
0x3b: {  	_ = 	snop  }
0x3c: {  	p2 =	seq.s32 s10, $0x1;
	s10 =	sld [smem:$0x3FAD]  }
0x3d: {  	_ =	shalt  }
0x3e: {  	_ =	shalt  }
0x3f: {  	_ =	shalt  }
0x40: {  	_ =	shalt  }
0x41: {  	_ =	shalt  }
0x42: {  	_ =	shalt  }
0x43: {  	_ =	shalt  }
0x44: {  	_ =	shalt  }
0x45: {  	_ =	shalt  }
0x46: {  	_ =	shalt  }
0x47: {  	_ =	shalt  }
0x48: {  	_ =	shalt  }
0x49: {  	_ =	shalt  }
0x4a: {  	_ =	shalt  }
0x4b: {  	_ =	shalt  }
0x4c: {  	_ =	shalt  }
0x4d: {  	_ =	shalt  }
0x4e: {  	_ =	shalt  }
0x4f: {  	_ =	shalt  }
0x50: {  	_ =	shalt  }
0x51: {  	_ =	shalt  }
0x52: {  	_ =	shalt  }
0x53: {  	_ =	shalt  }
0x54: {  	_ =	shalt  }
0x55: {  	_ =	shalt  }
0x56: {  	_ =	shalt  }
0x57: {  	_ =	shalt  }
0x58: {  	_ =	shalt  }
0x59: {  	_ =	shalt  }
0x5a: {  	_ =	shalt  }
0x5b: {  	_ =	shalt  }
0x5c: {  	_ =	shalt  }
0x5d: {  	_ =	shalt  }
0x5e: {  	_ =	shalt  }
0x5f: {  	_ =	shalt  }
0x60: {  	_ =	shalt  }
0x61: {  	_ =	shalt  }
0x62: {  	_ =	shalt  }
0x63: {  	_ =	shalt  }
0x64: {  	_ =	shalt  }
0x65: {  	_ =	shalt  }
0x66: {  	_ =	shalt  }
0x67: {  	_ =	shalt  }
0x68: {  	_ =	shalt  }
0x69: {  	_ =	shalt  }
0x6a: {  	_ =	shalt  }
0x6b: {  	_ =	shalt  }
0x6c: {  	_ =	shalt  }
0x6d: {  	_ =	shalt  }
0x6e: {  	_ =	shalt  }
0x6f: {  	_ =	shalt  }
0x70: {  	_ =	shalt  }
0x71: {  	_ =	shalt  }
0x72: {  	_ =	shalt  }
0x73: {  	_ =	shalt  }
0x74: {  	_ =	shalt  }
0x75: {  	_ =	shalt  }
0x76: {  	_ =	shalt  }
0x77: {  	_ =	shalt  }
0x78: {  	_ =	shalt  }
0x79: {  	_ =	shalt  }
0x7a: {  	_ =	shalt  }
0x7b: {  	_ =	shalt  }
0x7c: {  	_ =	shalt  }
0x7d: {  	_ =	shalt  }
0x7e: {  	_ =	shalt  }
0x7f: {  	_ =	shalt  }
0x80: {  	_ =	shalt  }
0x81: {  	_ =	shalt  }
0x82: {  	_ =	shalt  }
0x83: {  	_ =	shalt  }
0x84: {  	_ =	shalt  }
0x85: {  	_ =	shalt  }
0x86: {  	_ =	shalt  }
0x87: {  	_ =	shalt  }
.Lfunc_end0:
.L_simem_size_0:
called_computation.2_lowered:
.L_overlay_start_0:
0x88: {  	s2 =	sld [smem:$0x3FD9]  }
0x89: {  	s3 =	sld [smem:$0x3FFE];
	_ =	sdelay $0x1  }
0x8a: {  	s1 =	srdreg.scid  }
0x8b: {  	s0 =	sand.u32 $0x1, s1  }
0x8c: {  	s17 =	sshll.u32 s0, $0xA;
	s2 =	sadd.s32 s3, s2  }
0x8d: {  	s2 =	sadd.s32 s2, s17  }
0x8e: {  	[smem:$0x3FB9] =	sst s2  }
0x8f: {  	_ = 	snop  }
0x90: {  	s18 =	sld [smem:$0x3FD0];
	(tm) =	ssettm $0x1  }
0x91: {  	s19 =	sld [smem:$0x3FFB];
	_ =	sdelay $0x3  }
0x92: {  	_ =	strace s19  }
0x93: {  	s2 =	sld [smem:$0x3FFC];
	_ =	sdelay $0x3  }
0x94: {  	_ =	strace s2  }
0x95: {  	s2 =	sld [smem:$0x3FFD];
	_ =	sdelay $0x3  }
0x96: {  	_ =	strace s2  }
0x97: {  	_ =	strace $0x8FFFFFFF  }
0x98: {  	s20 =	sld [smem:$0x3FDB];
	_ =	sdelay $0x1  }
0x99: {  	s4 =	simm.s32 $_scs_section_size  }
0x9a: {  	s5 =	simm.s32 $_size__tile_overlayer_lowered;
	s6 =	simm.s32 $_tile_overlayer_lowered  }
0x9b: {  	s7 =	simm.s32 $0x1BFF;
	s21 =	sshll.u32 s6, $0x1;
	s4 =	sadd.s32 s4, s20  }
0x9c: {  	s22 =	simm.s32 $0x0;
	s5 =	sshll.u32 s5, $0x1;
	s6 =	sadd.s32 s21, s4  }
0x9d: {  	[timem:s22], [sflag:s7] =	dma.local [hbm:s6], s5  }
0x9e: {  	_ =	swait.ge [sflag:s7], s5  }
0x9f: {  	s5 =	ssub.s32 $0x0, s5;
	[sflag:s7] =	ssyncset.done $0x0  }
0xa0: {  	[sflag:s7] =	ssyncadd.s32 s5;
	_ =	sdelay $0x1  }
0xa1: {  	s23 =	simm.s32 $0x1B8B  }
0xa2: {  	_ =	swait.ge [sflag:s23], $0x1  }
0xa3: {  	[sflag:s23] =	ssyncset.done $0x0  }
0xa4: {  	[sflag:s23] =	ssyncadd.s32 $0xFFFFFFFF  }
0xa5: {  	s5 =	sld [smem:$0x0]  }
0xa6: {  	s6 =	sand.u32 $0xFFFFFFFE, s1  }
0xa7: {  	p0 =	sne.s32 s1, s6  }
0xa8: {  	s6 =	sshll.u32 @p0 s6, $0xE  }
0xa9: {  	s6 =	sadd.s32 @p0 $0x11B8D, s6;
	s7 =	sshll.u32 @p0 s5, $0x11  }
0xaa: {  	s6 =	sor.u32 @p0 s7, s6  }
0xab: {  	[sflag:s6] =	ssyncadd.remote.s32 @p0 $0x1;
	_ =	sdelay $0x1  }
0xac: {  	s6 =	simm.s32 @p0 $0x1B8D  }
0xad: {  	_ =	swait.eq @p0 [sflag:s6], $0x1  }
0xae: {  	[sflag:s6] =	ssyncadd.s32 @p0 $0xFFFFFFFF  }
0xaf: {  	s7 =	sshll.u32 @!p0 s1, $0xE  }
0xb0: {  	s7 =	sor.u32 @!p0 $0x4000, s7;
	s6 =	simm.s32 @!p0 $0x1B8D  }
0xb1: {  	s5 =	sshll.u32 @!p0 s5, $0x11;
	s7 =	sadd.s32 @!p0 $0x11B8D, s7;
	_ =	swait.eq @!p0 [sflag:s6], $0x1  }
0xb2: {  	s5 =	sor.u32 @!p0 s5, s7;
	[sflag:s6] =	ssyncadd.s32 @!p0 $0xFFFFFFFF  }
0xb3: {  	s25 =	simm.s32 $0x1B8E;
	s24 =	sld [smem:$0x3FFE];
	[sflag:s5] =	ssyncadd.remote.s32 @!p0 $0x1  }
0xb4: {  	s26 =	simm.s32 $execute0_lowered;
	[smem:$0x3FD2] =	sst s25  }
0xb5: {  	s6 =	sshll.u32 s26, $0x1;
	_ =	strace $0x8000004F;
	[dreg:$0x1] =	wrdreg $0xFFFFFFFF  }
0xb6: {  	s28 =	simm.s32 $_size_execute0_lowered;
	s4 =	sadd.s32 s4, s6;
	[dreg:$0x0] =	wrdreg $0x0  }
0xb7: {  	s6 =	sshll.u32 s28, $0x1;
	[dreg:$0x2] =	wrdreg s4  }
0xb8: {  	[dreg:$0x3] =	wrdreg s6  }
0xb9: {  	[dreg:$0x4] =	wrdreg $0xC0  }
0xba: {  	_ =	task [dreg:s22], $0x5FFFF  }
0xbb: {  	[dreg:$0x1] =	wrdreg $0xFFFFFFFF  }
0xbc: {  	[dreg:$0x0] =	wrdreg $0x60  }
0xbd: {  	[dreg:$0x2] =	wrdreg s24  }
0xbe: {  	[dreg:$0x3] =	wrdreg s18  }
0xbf: {  	[dreg:$0x4] =	wrdreg $0x3C000  }
0xc0: {  	[dreg:$0x5] =	wrdreg $0x9  }
0xc1: {  	_ =	task.clear_ibuf [dreg:s22], $0x6FFFF;
	_ =	strace $0x9000004F  }
0xc2: {  	s29 =	simm.s32 $0x9;
	_ =	strace $0x80000051  }
0xc3: {  	_ =	swait.ge [sflag:s29], $0x1  }
0xc4: {  	[sflag:s29] =	ssyncadd.s32 $0xFFFFFFFF  }
0xc5: {  	_ =	strace $0x90000051  }
0xc6: {  	_ =	sfence  }
0xc7: {  	s30 =	sld [smem:$0x0];
	_ =	sdelay $0x2  }
0xc8: {  	s31 =	sshll.u32 s1, $0xD;
	s1 =	sshrl.u32 s1, $0x2  }
0xc9: {  	s4 =	sand.u32 $0x4000, s31;
	s1 =	sadd.s32 s1, s30  }
0xca: {  	s0 =	sor.u32 s4, s0;
	s1 =	sshll.u32 s1, $0x11  }
0xcb: {  	s0 =	sor.u32 s1, s0  }
0xcc: {  	s0 =	sadd.s32 $0x8F2B, s0  }
0xcd: {  	[sflag:s0] =	ssyncadd.remote.s32 $0x1  }
0xce: {  	_ =	sfence.sel $0xFFFF  }
0xcf: {  	[dreg:$0x0] =	wrdreg $0xFFFFFFFF;
	(pc) =	sbr.abs _section_cstart, $3  }
0xd0: {  	[dreg:$0x1] =	wrdreg $0xFFFFFFFF  }
0xd1: {  	_ =	task.clear_ibuf [dreg:s22], $0x2FFFF;
	_ =	strace $0x9FFFFFFF  }
0xd2: {  	(tm) =	ssettm $0x7FFFFFFF  }
0xd3: {  	_ =	shalt  }
tec
execute0_lowered:
.L_overlay_start_1:
0x0: {  	(tag) =	ssettag $0x1  }
0x1: {  	s4 =	rddreg [dreg:$0x0]  }
0x2: {  	s1 =	rddreg [dreg:$0x1]  }
0x3: {  	s2 =	rddreg [dreg:$0x2]  }
0x4: {  	s0 =	rddreg [dreg:$0x3]  }
0x5: {  	s3 =	simm.s32 $0x0;
	s5 =	srdreg.scid;
	s9 =	stileid.u32  }
0x6: {  	s13 =	simm.s32 $0x1;
	s14 =	simm.s32 $0x28;
	s15 =	simm.s32 $0x2  }
0x7: {  	s16 =	simm.s32 $0x1360;
	s5 =	sand.u32 $0x1, s5;
	s29 =	smul.u32 $0x27100, s9  }
0x8: {  	s17 =	simm.s32 $0x0;
	s6 =	sshll.u32 s9, $0x1;
	s7 =	smul.u32 $0x27100, s5  }
0x9: {  	[smem:$0x7FF] =	sst s3;
	s6 =	sor.u32 s5, s6;
	s30 =	smul.u32 $0x13880, s5  }
0xa: {  	s8 =	sadd.s32 $0x630E00, s4;
	p0 =	sne.s32 s9, $0x0;
	s11 =	smul.u32 $0x1388, s6  }
0xb: {  	_ =	strace $0x80000050;
	s10 =	ssub.s32 $0x2, s5;
	s6 =	smul.u32 $0x9C400, s6  }
0xc: {  	s9 =	sshrl.u32 @!p0 s2, $0x3;
	s12 =	sshrl.u32 s10, $0x1;
	s7 =	sadd.s32 s7, s4  }
0xd: {  	s10 =	ssub.s32 s10, s12;
	s11 =	sshrl.u32 s11, $0x3;
	s6 =	sshrl.u32 s6, $0x3  }
0xe: {  	s12 =	simm.s32 $0x2800;
	s4 =	sadd.s32 s4, s11;
	s31 =	sadd.s32 s8, s6  }
0xf: {  	s8 =	sadd.s32 s29, s8;
	s6 =	sadd.s32 $0x64800, s7;
	s7 =	smax.u32 s10, $0x1  }
0x10: {  	s10 =	simm.s32 $0x3;
	s11 =	simm.s32 $0x1400;
	s8 =	sadd.s32 s30, s8  }
0x11: {  	s4 =	sadd.s32 $0xC840, s4;
	s5 =	sadd.s32 $0x13600, s31;
	s8 =	sadd.s32 $0x280, s8  }
.LBB2_1:
0x12: {  	s18 =	simm.s32 @!p0 $0x1C03  }
0x13: {  	[spmem:s9], [sflag:s18] =	dma.local @!p0 [hbm:s1], $0x27100  }
0x14: {  	s18 =	simm.s32 @!p0 $0x3  }
0x15: {  	_ =	swait.ge @!p0 [sflag:s18], $0x27100  }
0x16: {  	[sflag:s18] =	ssyncset.done @!p0 $0x0  }
0x17: {  	[sflag:s18] =	ssyncadd.s32 @!p0 $0xFFFD8F00  }
0x18: {  	[tilespmem:s3], [sflag:$0x3] =	stream.linear.gather [hbm4b:s4+s3], $0x1388, $0x38;
	[tilespmem:$0x17480] =	vst v63  }
0x19: {  	_ =	swait.ge [sflag:s10], $0x1388  }
0x1a: {  	[sflag:s10] =	ssyncset.done $0x0  }
0x1b: {  	[sflag:s10] =	ssyncadd.s32 $0xFFFFEC78  }
0x1c: {  	s29 =	sadd.s32 $0xFFFFFD80, s8;
	[bflag:$0x0] =	sbarrier.arrive $0xFFFF  }
0x1d: {  	[tilespmem:s11], [sflag:$0x1] =	stream.linear.gather [hbm4b:s29+s3], $0x1400, $0x38;
	[tilespmem:$0x17480] =	vst v63  }
0x1e: {  	_ = 	snop  }
0x1f: {  	[tilespmem:s12], [sflag:$0x1] =	stream.linear.gather [hbm4b:s8+s3], $0x1400, $0x38;
	[tilespmem:$0x17480] =	vst v63  }
0x20: {  	_ =	swait.ge [sflag:s13], $0x1400  }
0x21: {  	[sflag:s13] =	ssyncset.done $0x0  }
0x22: {  	s30 =	simm.s32 $0x0;
	[sflag:s13] =	ssyncadd.s32 $0xFFFFEC00  }
0x23: {  	[spmem:s2] =	stream.indirect.scatter.add.f32 [tilespmem:s11], [sflag:$0x2], $0x80, s30, s14, $0xb8;
	[tilespmem:$0x17480] =	vst v63  }
0x24: {  	_ =	swait.ge [sflag:s13], $0x1400  }
0x25: {  	[sflag:s13] =	ssyncset.done $0x0  }
0x26: {  	s31 =	simm.s32 $0x28;
	[sflag:s13] =	ssyncadd.s32 $0xFFFFEC00  }
0x27: {  	[spmem:s2] =	stream.indirect.scatter.add.f32 [tilespmem:s12], [sflag:$0x2], $0x80, s31, s14, $0xb8;
	[tilespmem:$0x17480] =	vst v63  }
0x28: {  	_ =	swait.ge [sflag:s15], $0x1400  }
0x29: {  	[sflag:s15] =	ssyncset.done $0x0  }
0x2a: {  	[sflag:s15] =	ssyncadd.s32 $0xFFFFEC00  }
0x2b: {  	s20 =	simm.s32 $0x280;
	_ =	swait.ge [sflag:s15], $0x1400  }
0x2c: {  	s19 =	sadd.s32 $0x500, s8;
	s18 =	simm.s32 $0x140;
	[sflag:s15] =	ssyncset.done $0x0  }
.LBB2_2:
0x2d: {  	p1 =	sne.s32 s20, $0x4C40;
	s21 =	sadd.s32 $0xFFFFFD80, s19;
	[sflag:s15] =	ssyncadd.s32 $0xFFFFEC00  }
0x2e: {  	[tilespmem:s11], [sflag:$0x1] =	stream.linear.gather [hbm4b:s21+s3], $0x1400, $0x38;
	[tilespmem:$0x17480] =	vst v63  }
0x2f: {  	s21 =	smov.u32 s20;
	s20 =	sadd.s32 $0x140, s20  }
0x30: {  	[tilespmem:s12], [sflag:$0x1] =	stream.linear.gather [hbm4b:s19+s3], $0x1400, $0x38;
	[tilespmem:$0x17480] =	vst v63  }
0x31: {  	_ =	swait.ge [sflag:s13], $0x1400  }
0x32: {  	[sflag:s13] =	ssyncset.done $0x0  }
0x33: {  	s22 =	sshra.s32 s18, $0x2;
	s18 =	smov.u32 s21;
	[sflag:s13] =	ssyncadd.s32 $0xFFFFEC00  }
0x34: {  	[spmem:s2] =	stream.indirect.scatter.add.f32 [tilespmem:s11], [sflag:$0x2], $0x80, s22, s14, $0xb8;
	[tilespmem:$0x17480] =	vst v63  }
0x35: {  	_ =	swait.ge [sflag:s13], $0x1400  }
0x36: {  	[sflag:s13] =	ssyncset.done $0x0  }
0x37: {  	s21 =	sadd.s32 $0x28, s22;
	[sflag:s13] =	ssyncadd.s32 $0xFFFFEC00  }
0x38: {  	[spmem:s2] =	stream.indirect.scatter.add.f32 [tilespmem:s12], [sflag:$0x2], $0x80, s21, s14, $0xb8;
	[tilespmem:$0x17480] =	vst v63  }
.Ltmp0:
0x39: {  	_ =	swait.ge [sflag:s15], $0x1400;
	(pc) =	sbr.rel @p1 .LBB2_2-.Ltmp0, $4  }
0x3a: {  	[sflag:s15] =	ssyncset.done $0x0  }
0x3b: {  	[sflag:s15] =	ssyncadd.s32 $0xFFFFEC00  }
0x3c: {  	_ =	swait.ge [sflag:s15], $0x1400  }
0x3d: {  	s19 =	sadd.s32 $0x500, s19;
	[sflag:s15] =	ssyncset.done $0x0  }
0x3e: {  	s20 =	sadd.s32 $0xFFFFFD80, s19;
	[sflag:s15] =	ssyncadd.s32 $0xFFFFEC00  }
0x3f: {  	[tilespmem:s11], [sflag:$0x1] =	stream.linear.gather [hbm4b:s20+s3], $0x1400, $0x38;
	[tilespmem:$0x17480] =	vst v63  }
0x40: {  	_ = 	snop  }
0x41: {  	[tilespmem:s12], [sflag:$0x1] =	stream.linear.gather [hbm4b:s19+s3], $0x1400, $0x38;
	[tilespmem:$0x17480] =	vst v63  }
0x42: {  	_ =	swait.ge [sflag:s13], $0x1400  }
0x43: {  	[sflag:s13] =	ssyncset.done $0x0  }
0x44: {  	s18 =	sshra.s32 s18, $0x2;
	[sflag:s13] =	ssyncadd.s32 $0xFFFFEC00  }
0x45: {  	[spmem:s2] =	stream.indirect.scatter.add.f32 [tilespmem:s11], [sflag:$0x2], $0x80, s18, s14, $0xb8;
	[tilespmem:$0x17480] =	vst v63  }
0x46: {  	_ =	swait.ge [sflag:s13], $0x1400  }
0x47: {  	[sflag:s13] =	ssyncset.done $0x0  }
0x48: {  	s18 =	sadd.s32 $0x28, s18;
	[sflag:s13] =	ssyncadd.s32 $0xFFFFEC00  }
0x49: {  	[spmem:s2] =	stream.indirect.scatter.add.f32 [tilespmem:s12], [sflag:$0x2], $0x80, s18, s14, $0xb8;
	[tilespmem:$0x17480] =	vst v63  }
0x4a: {  	_ =	swait.ge [sflag:s15], $0x1400  }
0x4b: {  	[sflag:s15] =	ssyncset.done $0x0  }
0x4c: {  	[sflag:s15] =	ssyncadd.s32 $0xFFFFEC00  }
0x4d: {  	_ =	swait.ge [sflag:s15], $0x1400  }
0x4e: {  	[sflag:s15] =	ssyncset.done $0x0  }
0x4f: {  	[sflag:s15] =	ssyncadd.s32 $0xFFFFEC00  }
0x50: {  	[tilespmem:s11], [sflag:$0x1] =	stream.linear.gather [hbm4b:s5+s3], $0x1400, $0x38;
	[tilespmem:$0x17480] =	vst v63  }
0x51: {  	_ =	swait.ge [sflag:s13], $0x1400  }
0x52: {  	[sflag:s13] =	ssyncset.done $0x0  }
0x53: {  	[sflag:s13] =	ssyncadd.s32 $0xFFFFEC00  }
0x54: {  	[spmem:s2] =	stream.indirect.scatter.add.f32 [tilespmem:s11], [sflag:$0x2], $0x80, s16, s14, $0xb8;
	[tilespmem:$0x17480] =	vst v63  }
0x55: {  	_ =	swait.ge [sflag:s15], $0x1400  }
0x56: {  	[sflag:s15] =	ssyncset.done $0x0  }
0x57: {  	s17 =	sadd.s32 $0x1, s17;
	[sflag:s15] =	ssyncadd.s32 $0xFFFFEC00  }
0x58: {  	p1 =	sne.s32 s17, s7;
	s18 =	simm.s32 @!p0 $0x1C03;
	[bflag:$0x0] =	sbarrier.arrive $0xFFFF  }
0x59: {  	[hbm:s6], [sflag:s18] =	dma.local @!p0 [spmem:s9], $0x27100  }
.Ltmp1:
0x5a: {  	_ = 	snop;
	(pc) =	sbr.rel @p1 .LBB2_1-.Ltmp1, $4  }
0x5b: {  	s18 =	simm.s32 @!p0 $0x3  }
0x5c: {  	_ =	swait.ge @!p0 [sflag:s18], $0x27100  }
0x5d: {  	[sflag:s18] =	ssyncset.done @!p0 $0x0  }
0x5e: {  	[sflag:s18] =	ssyncadd.s32 @!p0 $0xFFFD8F00  }
0x5f: {  	_ =	sfence.sel $0x180000  }
0x60: {  	[bflag:$0x0] =	sbarrier.arrive $0xFFFF  }
0x61: {  	_ =	strace $0x90000050  }
0x62: {  	s0 =	sadd.s32 @!p0 $0x100000, s0;
	[bflag:$0x2] =	sbarrier.arrive $0xFFFF  }
0x63: {  	[sflag:s0] =	ssyncadd.tile.s32 @!p0 $0x1;
	_ =	shalt  }
.Lfunc_end2:
_tile_overlayer_lowered:
.L_overlay_start_2:
0x64: {  	(tag) =	ssettag $0x2  }
0x65: {  	s0 =	rddreg [dreg:$0x0];
	s2 =	stileid.u32  }
0x66: {  	s1 =	rddreg [dreg:$0x1];
	p0 =	sne.s32 s2, $0x0  }
0x67: {  	s3 =	rddreg [dreg:$0x2];
	[bflag:$0x3] =	sbarrier.arrive $0xFFFF;
	s2 =	simm.s32 @!p0 $0x1C03  }
0x68: {  	[timem:s3], [sflag:s2] =	dma.local @!p0 [hbm:s0], s1  }
0x69: {  	s0 =	simm.s32 @!p0 $0x3  }
0x6a: {  	_ =	swait.ge @!p0 [sflag:s0], s1  }
0x6b: {  	s1 =	ssub.s32 @!p0 $0x0, s1;
	[sflag:s0] =	ssyncset.done @!p0 $0x0  }
0x6c: {  	[sflag:s0] =	ssyncadd.s32 @!p0 s1  }
0x6d: {  	[bflag:$0x3] =	sbarrier.arrive $0xFFFF  }
0x6e: {  	_ =	shalt  }

// kernel: kernel.25.cloned.1.call-start
scs
__scs_entry_jumppad:
0x0: {  	(pc) =	sbr.rel $0x88, $3  }
0x1: {  	(tag) =	ssettag $0x0;
	lr =	simm.s32 $0x1  }
0x2: {  	[smem:$0x3F92] =	sst lr;
	_ =	strace $0xD0000000  }
0x3: {  	_ = 	snop  }
0x4: {  	_ = 	snop  }
0x5: {  	_ = 	snop  }
0x6: {  	_ = 	snop  }
0x7: {  	_ = 	snop  }
__scs_overlays_trampoline_lowered:
0x8: {  	[smem:$0x3FA1] =	sst s0  }
0x9: {  	[smem:$0x3FA2] =	sst s1  }
0xa: {  	[smem:$0x3FA3] =	sst s2  }
0xb: {  	[smem:$0x3FA4] =	sst s3  }
0xc: {  	[smem:$0x3FA5] =	sst s4  }
0xd: {  	[smem:$0x3FA6] =	sst s5  }
0xe: {  	[smem:$0x3FA7] =	sst s6  }
0xf: {  	[smem:$0x3FA8] =	sst s7  }
0x10: {  	[smem:$0x3FA9] =	sst s8  }
0x11: {  	[smem:$0x3FAA] =	sst s9;
	s0 =	simm.s32 @!p0 $0x0  }
0x12: {  	s1 =	sld [smem:$0x3F90];
	s0 =	simm.s32 @p0 $0x1  }
0x13: {  	[smem:$0x3FAB] =	sst s0;
	s0 =	simm.s32 @!p1 $0x0  }
0x14: {  	s2 =	sld [smem:$0x3F8F];
	s0 =	simm.s32 @p1 $0x1  }
0x15: {  	[smem:$0x3FAC] =	sst s0;
	s0 =	simm.s32 @!p2 $0x0  }
0x16: {  	s3 =	sld [smem:$0x3FDB];
	s0 =	simm.s32 @p2 $0x1  }
0x17: {  	s4 =	simm.s32 $0x1BF5;
	[smem:$0x3FAE] =	sst s0  }
0x18: {  	s0 =	sld [smem:$0x3F91];
	_ =	swait.ge [sflag:s4], $0x0  }
0x19: {  	s7 =	sld [smem:$0x3F92]  }
0x1a: {  	s8 =	sadd.s32 $0xFFFFE003, lr  }
0x1b: {  	s9 =	sadd.s32 $0xFFFFFEF7, lr;
	s5 =	simm.s32 $0xFFFFFFFF;
	p2 =	slt.u32 s8, $0xFFFFF086  }
0x1c: {  	p1 =	slt.u32 s9, $0xF7A;
	s5 =	simm.s32 @!p2 $0x0  }
0x1d: {  	s5 =	simm.s32 @p1 $0x1;
	p0 =	seq.s32 s7, s2  }
0x1e: {  	s7 =	smul.u32 @!p0 $0xF7A, s2;
	p2 =	seq.s32 @!p0 s5, $0x0  }
0x1f: {  	s9 =	smul.u32 $0xF7A, s1;
	s8 =	simm.s32 @!p0 $0x1BF5;
	p2 =	por !p2, p0  }
0x20: {  	[sflag:s8] =	ssyncset.s32 @!p0 $0xFFFFF086;
	s6 =	sadd.s32 @!p0 s3, s7;
	s7 =	simm.s32 @!p0 $0x108  }
0x21: {  	s3 =	sadd.s32 s3, s9;
	s6 =	sadd.s32 @!p0 $0x88, s6;
	s7 =	simm.s32 @p2 $0x1082  }
0x22: {  	[simem:s7], [sflag:s8] =	dma.local @!p0 [hbm:s6], $0xF7A  }
0x23: {  	s9 =	sor.u32 $0xD0000000, s2;
	s6 =	simm.s32 $0x108;
	_ =	swait.ge @!p0 [sflag:s8], $0x0  }
0x24: {  	s3 =	sadd.s32 $0x88, s3;
	s6 =	simm.s32 @!p1 $0x1082;
	[sflag:s4] =	ssyncset.s32 $0xFFFFF086  }
0x25: {  	[simem:s6], [sflag:s4] =	dma.local [hbm:s3], $0xF7A  }
0x26: {  	[smem:$0x3F92] =	sst s1;
	(tag) =	ssettag s2;
	_ =	strace s9  }
0x27: {  	s1 =	sld [smem:$0x3FA2]  }
0x28: {  	s2 =	sld [smem:$0x3FA3]  }
0x29: {  	s4 =	sld [smem:$0x3FA5]  }
0x2a: {  	p0 =	seq.s32 s5, $0x0;
	s5 =	sld [smem:$0x3FA6]  }
0x2b: {  	s6 =	sld [smem:$0x3FA7]  }
0x2c: {  	s7 =	sld [smem:$0x3FA8]  }
0x2d: {  	s3 =	simm.s32 $0x108;
	s8 =	sld [smem:$0x3FA9]  }
0x2e: {  	s3 =	simm.s32 @!p0 $0x1082;
	s9 =	sld [smem:$0x3FAA]  }
0x2f: {  	lr =	sadd.s32 s0, s3;
	s0 =	sld [smem:$0x3FA1]  }
0x30: {  	s3 =	sld [smem:$0x3FA4]  }
0x31: {  	[smem:$0x3FAD] =	sst s10  }
0x32: {  	s10 =	sld [smem:$0x3FAB];
	_ =	sdelay $0x3  }
0x33: {  	p0 =	seq.s32 s10, $0x1;
	s10 =	sld [smem:$0x3FAD];
	_ =	sdelay $0x3  }
0x34: {  	[smem:$0x3FAD] =	sst s10  }
0x35: {  	s10 =	sld [smem:$0x3FAC];
	_ =	sdelay $0x3  }
0x36: {  	p1 =	seq.s32 s10, $0x1;
	s10 =	sld [smem:$0x3FAD];
	_ =	sdelay $0x3  }
0x37: {  	[smem:$0x3FAD] =	sst s10  }
0x38: {  	s10 =	sld [smem:$0x3FAE]  }
0x39: {  	_ = 	snop;
	(pc) =	sbr.ind lr, $3  }
0x3a: {  	_ = 	snop  }
0x3b: {  	_ = 	snop  }
0x3c: {  	p2 =	seq.s32 s10, $0x1;
	s10 =	sld [smem:$0x3FAD]  }
0x3d: {  	_ =	shalt  }
0x3e: {  	_ =	shalt  }
0x3f: {  	_ =	shalt  }
0x40: {  	_ =	shalt  }
0x41: {  	_ =	shalt  }
0x42: {  	_ =	shalt  }
0x43: {  	_ =	shalt  }
0x44: {  	_ =	shalt  }
0x45: {  	_ =	shalt  }
0x46: {  	_ =	shalt  }
0x47: {  	_ =	shalt  }
0x48: {  	_ =	shalt  }
0x49: {  	_ =	shalt  }
0x4a: {  	_ =	shalt  }
0x4b: {  	_ =	shalt  }
0x4c: {  	_ =	shalt  }
0x4d: {  	_ =	shalt  }
0x4e: {  	_ =	shalt  }
0x4f: {  	_ =	shalt  }
0x50: {  	_ =	shalt  }
0x51: {  	_ =	shalt  }
0x52: {  	_ =	shalt  }
0x53: {  	_ =	shalt  }
0x54: {  	_ =	shalt  }
0x55: {  	_ =	shalt  }
0x56: {  	_ =	shalt  }
0x57: {  	_ =	shalt  }
0x58: {  	_ =	shalt  }
0x59: {  	_ =	shalt  }
0x5a: {  	_ =	shalt  }
0x5b: {  	_ =	shalt  }
0x5c: {  	_ =	shalt  }
0x5d: {  	_ =	shalt  }
0x5e: {  	_ =	shalt  }
0x5f: {  	_ =	shalt  }
0x60: {  	_ =	shalt  }
0x61: {  	_ =	shalt  }
0x62: {  	_ =	shalt  }
0x63: {  	_ =	shalt  }
0x64: {  	_ =	shalt  }
0x65: {  	_ =	shalt  }
0x66: {  	_ =	shalt  }
0x67: {  	_ =	shalt  }
0x68: {  	_ =	shalt  }
0x69: {  	_ =	shalt  }
0x6a: {  	_ =	shalt  }
0x6b: {  	_ =	shalt  }
0x6c: {  	_ =	shalt  }
0x6d: {  	_ =	shalt  }
0x6e: {  	_ =	shalt  }
0x6f: {  	_ =	shalt  }
0x70: {  	_ =	shalt  }
0x71: {  	_ =	shalt  }
0x72: {  	_ =	shalt  }
0x73: {  	_ =	shalt  }
0x74: {  	_ =	shalt  }
0x75: {  	_ =	shalt  }
0x76: {  	_ =	shalt  }
0x77: {  	_ =	shalt  }
0x78: {  	_ =	shalt  }
0x79: {  	_ =	shalt  }
0x7a: {  	_ =	shalt  }
0x7b: {  	_ =	shalt  }
0x7c: {  	_ =	shalt  }
0x7d: {  	_ =	shalt  }
0x7e: {  	_ =	shalt  }
0x7f: {  	_ =	shalt  }
0x80: {  	_ =	shalt  }
0x81: {  	_ =	shalt  }
0x82: {  	_ =	shalt  }
0x83: {  	_ =	shalt  }
0x84: {  	_ =	shalt  }
0x85: {  	_ =	shalt  }
0x86: {  	_ =	shalt  }
0x87: {  	_ =	shalt  }
.Lfunc_end0:
.L_simem_size_0:
called_computation.3_lowered:
.L_overlay_start_0:
0x88: {  	s2 =	sld [smem:$0x3FD9]  }
0x89: {  	s3 =	sld [smem:$0x3FFE];
	_ =	sdelay $0x1  }
0x8a: {  	s1 =	srdreg.scid  }
0x8b: {  	s0 =	sand.u32 $0x1, s1  }
0x8c: {  	s17 =	sshll.u32 s0, $0xA;
	s2 =	sadd.s32 s3, s2  }
0x8d: {  	s2 =	sadd.s32 s2, s17  }
0x8e: {  	[smem:$0x3FB9] =	sst s2  }
0x8f: {  	_ = 	snop  }
0x90: {  	s2 =	sld [smem:$0x3FD0];
	(tm) =	ssettm $0x1  }
0x91: {  	s18 =	sld [smem:$0x3FFB];
	_ =	sdelay $0x3  }
0x92: {  	_ =	strace s18  }
0x93: {  	s3 =	sld [smem:$0x3FFC];
	_ =	sdelay $0x3  }
0x94: {  	_ =	strace s3  }
0x95: {  	s3 =	sld [smem:$0x3FFD];
	_ =	sdelay $0x3  }
0x96: {  	_ =	strace s3  }
0x97: {  	_ =	strace $0x8FFFFFFF  }
0x98: {  	s19 =	sld [smem:$0x3FDB];
	_ =	sdelay $0x1  }
0x99: {  	s4 =	simm.s32 $_scs_section_size  }
0x9a: {  	s5 =	simm.s32 $_size__tile_overlayer_lowered;
	s6 =	simm.s32 $_tile_overlayer_lowered  }
0x9b: {  	s22 =	simm.s32 $0x1BFF;
	s21 =	sshll.u32 s6, $0x1;
	s3 =	sadd.s32 s4, s19  }
0x9c: {  	s7 =	simm.s32 $0x0;
	s20 =	sshll.u32 s5, $0x1;
	s5 =	sadd.s32 s21, s3  }
0x9d: {  	[timem:s7], [sflag:s22] =	dma.local [hbm:s5], s20  }
0x9e: {  	_ =	swait.ge [sflag:s22], s20  }
0x9f: {  	s4 =	ssub.s32 $0x0, s20;
	[sflag:s22] =	ssyncset.done $0x0  }
0xa0: {  	[sflag:s22] =	ssyncadd.s32 s4;
	_ =	sdelay $0x1  }
0xa1: {  	s23 =	simm.s32 $0x1B8B  }
0xa2: {  	_ =	swait.ge [sflag:s23], $0x1  }
0xa3: {  	[sflag:s23] =	ssyncset.done $0x0  }
0xa4: {  	s25 =	simm.s32 $0x1B8E;
	s24 =	sld [smem:$0x3FFE];
	[sflag:s23] =	ssyncadd.s32 $0xFFFFFFFF  }
0xa5: {  	s26 =	simm.s32 $execute0_lowered;
	[smem:$0x3FD2] =	sst s25  }
0xa6: {  	s5 =	sshll.u32 s26, $0x1;
	_ =	strace $0x8000004C;
	[dreg:$0x1] =	wrdreg $0xFFFFFFFF  }
0xa7: {  	s28 =	simm.s32 $_size_execute0_lowered;
	s3 =	sadd.s32 s3, s5;
	[dreg:$0x0] =	wrdreg $0x0  }
0xa8: {  	s5 =	sshll.u32 s28, $0x1;
	[dreg:$0x2] =	wrdreg s3  }
0xa9: {  	[dreg:$0x3] =	wrdreg s5  }
0xaa: {  	[dreg:$0x4] =	wrdreg $0xC0  }
0xab: {  	_ =	task [dreg:s7], $0x5FFFF  }
0xac: {  	[dreg:$0x1] =	wrdreg $0xFFFFFFFF  }
0xad: {  	[dreg:$0x0] =	wrdreg $0x60  }
0xae: {  	[dreg:$0x2] =	wrdreg s24  }
0xaf: {  	[dreg:$0x3] =	wrdreg s2  }
0xb0: {  	[dreg:$0x4] =	wrdreg $0x3C000  }
0xb1: {  	[dreg:$0x5] =	wrdreg $0xA  }
0xb2: {  	_ =	task.clear_ibuf [dreg:s7], $0x6FFFF;
	_ =	strace $0x9000004C  }
0xb3: {  	s29 =	simm.s32 $0xA;
	_ =	strace $0x8000004E  }
0xb4: {  	_ =	swait.ge [sflag:s29], $0x1  }
0xb5: {  	[sflag:s29] =	ssyncadd.s32 $0xFFFFFFFF  }
0xb6: {  	_ =	strace $0x9000004E  }
0xb7: {  	_ =	sfence  }
0xb8: {  	s30 =	sld [smem:$0x0];
	_ =	sdelay $0x2  }
0xb9: {  	s31 =	sshll.u32 s1, $0xD;
	s1 =	sshrl.u32 s1, $0x2  }
0xba: {  	s3 =	sand.u32 $0x4000, s31;
	s1 =	sadd.s32 s1, s30  }
0xbb: {  	s0 =	sor.u32 s3, s0;
	s1 =	sshll.u32 s1, $0x11  }
0xbc: {  	s0 =	sor.u32 s1, s0  }
0xbd: {  	s0 =	sadd.s32 $0x8F2B, s0  }
0xbe: {  	[sflag:s0] =	ssyncadd.remote.s32 $0x1  }
0xbf: {  	_ =	sfence.sel $0xFFFF  }
0xc0: {  	[dreg:$0x0] =	wrdreg $0xFFFFFFFF;
	(pc) =	sbr.abs _section_cstart, $3  }
0xc1: {  	[dreg:$0x1] =	wrdreg $0xFFFFFFFF  }
0xc2: {  	_ =	task.clear_ibuf [dreg:s7], $0x2FFFF;
	_ =	strace $0x9FFFFFFF  }
0xc3: {  	(tm) =	ssettm $0x7FFFFFFF  }
tec
execute0_lowered:
.L_overlay_start_1:
0x0: {  	(tag) =	ssettag $0x1  }
0x1: {  	s4 =	rddreg [dreg:$0x0]  }
0x2: {  	s1 =	rddreg [dreg:$0x1]  }
0x3: {  	s2 =	rddreg [dreg:$0x2]  }
0x4: {  	s0 =	rddreg [dreg:$0x3]  }
0x5: {  	s3 =	simm.s32 $0x0;
	s5 =	srdreg.scid;
	s9 =	stileid.u32  }
0x6: {  	s13 =	simm.s32 $0x1;
	s14 =	simm.s32 $0x28;
	s15 =	simm.s32 $0x2  }
0x7: {  	s16 =	simm.s32 $0x1360;
	s5 =	sand.u32 $0x1, s5;
	s29 =	smul.u32 $0x27100, s9  }
0x8: {  	s17 =	simm.s32 $0x0;
	s6 =	sshll.u32 s9, $0x1;
	s7 =	smul.u32 $0x27100, s5  }
0x9: {  	[smem:$0x7FF] =	sst s3;
	s6 =	sor.u32 s5, s6;
	s30 =	smul.u32 $0x13880, s5  }
0xa: {  	s8 =	sadd.s32 $0x3BFE00, s4;
	p0 =	sne.s32 s9, $0x0;
	s11 =	smul.u32 $0x1388, s6  }
0xb: {  	_ =	strace $0x8000004D;
	s10 =	ssub.s32 $0x2, s5;
	s6 =	smul.u32 $0x9C400, s6  }
0xc: {  	s9 =	sshrl.u32 @!p0 s2, $0x3;
	s12 =	sshrl.u32 s10, $0x1;
	s7 =	sadd.s32 s7, s4  }
0xd: {  	s10 =	ssub.s32 s10, s12;
	s11 =	sshrl.u32 s11, $0x3;
	s6 =	sshrl.u32 s6, $0x3  }
0xe: {  	s12 =	simm.s32 $0x2800;
	s4 =	sadd.s32 s4, s11;
	s31 =	sadd.s32 s8, s6  }
0xf: {  	s8 =	sadd.s32 s29, s8;
	s6 =	sadd.s32 $0x16600, s7;
	s7 =	smax.u32 s10, $0x1  }
0x10: {  	s10 =	simm.s32 $0x3;
	s11 =	simm.s32 $0x1400;
	s8 =	sadd.s32 s30, s8  }
0x11: {  	s4 =	sadd.s32 $0x11660, s4;
	s5 =	sadd.s32 $0x13600, s31;
	s8 =	sadd.s32 $0x280, s8  }
.LBB2_1:
0x12: {  	s18 =	simm.s32 @!p0 $0x1C03  }
0x13: {  	[spmem:s9], [sflag:s18] =	dma.local @!p0 [hbm:s1], $0x27100  }
0x14: {  	s18 =	simm.s32 @!p0 $0x3  }
0x15: {  	_ =	swait.ge @!p0 [sflag:s18], $0x27100  }
0x16: {  	[sflag:s18] =	ssyncset.done @!p0 $0x0  }
0x17: {  	[sflag:s18] =	ssyncadd.s32 @!p0 $0xFFFD8F00  }
0x18: {  	[tilespmem:s3], [sflag:$0x3] =	stream.linear.gather [hbm4b:s4+s3], $0x1388, $0x38;
	[tilespmem:$0x17480] =	vst v63  }
0x19: {  	_ =	swait.ge [sflag:s10], $0x1388  }
0x1a: {  	[sflag:s10] =	ssyncset.done $0x0  }
0x1b: {  	[sflag:s10] =	ssyncadd.s32 $0xFFFFEC78  }
0x1c: {  	s29 =	sadd.s32 $0xFFFFFD80, s8;
	[bflag:$0x0] =	sbarrier.arrive $0xFFFF  }
0x1d: {  	[tilespmem:s11], [sflag:$0x1] =	stream.linear.gather [hbm4b:s29+s3], $0x1400, $0x38;
	[tilespmem:$0x17480] =	vst v63  }
0x1e: {  	_ = 	snop  }
0x1f: {  	[tilespmem:s12], [sflag:$0x1] =	stream.linear.gather [hbm4b:s8+s3], $0x1400, $0x38;
	[tilespmem:$0x17480] =	vst v63  }
0x20: {  	_ =	swait.ge [sflag:s13], $0x1400  }
0x21: {  	[sflag:s13] =	ssyncset.done $0x0  }
0x22: {  	s30 =	simm.s32 $0x0;
	[sflag:s13] =	ssyncadd.s32 $0xFFFFEC00  }
0x23: {  	[spmem:s2] =	stream.indirect.scatter.add.f32 [tilespmem:s11], [sflag:$0x2], $0x80, s30, s14, $0xb8;
	[tilespmem:$0x17480] =	vst v63  }
0x24: {  	_ =	swait.ge [sflag:s13], $0x1400  }
0x25: {  	[sflag:s13] =	ssyncset.done $0x0  }
0x26: {  	s31 =	simm.s32 $0x28;
	[sflag:s13] =	ssyncadd.s32 $0xFFFFEC00  }
0x27: {  	[spmem:s2] =	stream.indirect.scatter.add.f32 [tilespmem:s12], [sflag:$0x2], $0x80, s31, s14, $0xb8;
	[tilespmem:$0x17480] =	vst v63  }
0x28: {  	_ =	swait.ge [sflag:s15], $0x1400  }
0x29: {  	[sflag:s15] =	ssyncset.done $0x0  }
0x2a: {  	[sflag:s15] =	ssyncadd.s32 $0xFFFFEC00  }
0x2b: {  	s20 =	simm.s32 $0x280;
	_ =	swait.ge [sflag:s15], $0x1400  }
0x2c: {  	s19 =	sadd.s32 $0x500, s8;
	s18 =	simm.s32 $0x140;
	[sflag:s15] =	ssyncset.done $0x0  }
.LBB2_2:
0x2d: {  	p1 =	sne.s32 s20, $0x4C40;
	s21 =	sadd.s32 $0xFFFFFD80, s19;
	[sflag:s15] =	ssyncadd.s32 $0xFFFFEC00  }
0x2e: {  	[tilespmem:s11], [sflag:$0x1] =	stream.linear.gather [hbm4b:s21+s3], $0x1400, $0x38;
	[tilespmem:$0x17480] =	vst v63  }
0x2f: {  	s21 =	smov.u32 s20;
	s20 =	sadd.s32 $0x140, s20  }
0x30: {  	[tilespmem:s12], [sflag:$0x1] =	stream.linear.gather [hbm4b:s19+s3], $0x1400, $0x38;
	[tilespmem:$0x17480] =	vst v63  }
0x31: {  	_ =	swait.ge [sflag:s13], $0x1400  }
0x32: {  	[sflag:s13] =	ssyncset.done $0x0  }
0x33: {  	s22 =	sshra.s32 s18, $0x2;
	s18 =	smov.u32 s21;
	[sflag:s13] =	ssyncadd.s32 $0xFFFFEC00  }
0x34: {  	[spmem:s2] =	stream.indirect.scatter.add.f32 [tilespmem:s11], [sflag:$0x2], $0x80, s22, s14, $0xb8;
	[tilespmem:$0x17480] =	vst v63  }
0x35: {  	_ =	swait.ge [sflag:s13], $0x1400  }
0x36: {  	[sflag:s13] =	ssyncset.done $0x0  }
0x37: {  	s21 =	sadd.s32 $0x28, s22;
	[sflag:s13] =	ssyncadd.s32 $0xFFFFEC00  }
0x38: {  	[spmem:s2] =	stream.indirect.scatter.add.f32 [tilespmem:s12], [sflag:$0x2], $0x80, s21, s14, $0xb8;
	[tilespmem:$0x17480] =	vst v63  }
.Ltmp0:
0x39: {  	_ =	swait.ge [sflag:s15], $0x1400;
	(pc) =	sbr.rel @p1 .LBB2_2-.Ltmp0, $4  }
0x3a: {  	[sflag:s15] =	ssyncset.done $0x0  }
0x3b: {  	[sflag:s15] =	ssyncadd.s32 $0xFFFFEC00  }
0x3c: {  	_ =	swait.ge [sflag:s15], $0x1400  }
0x3d: {  	s19 =	sadd.s32 $0x500, s19;
	[sflag:s15] =	ssyncset.done $0x0  }
0x3e: {  	s20 =	sadd.s32 $0xFFFFFD80, s19;
	[sflag:s15] =	ssyncadd.s32 $0xFFFFEC00  }
0x3f: {  	[tilespmem:s11], [sflag:$0x1] =	stream.linear.gather [hbm4b:s20+s3], $0x1400, $0x38;
	[tilespmem:$0x17480] =	vst v63  }
0x40: {  	_ = 	snop  }
0x41: {  	[tilespmem:s12], [sflag:$0x1] =	stream.linear.gather [hbm4b:s19+s3], $0x1400, $0x38;
	[tilespmem:$0x17480] =	vst v63  }
0x42: {  	_ =	swait.ge [sflag:s13], $0x1400  }
0x43: {  	[sflag:s13] =	ssyncset.done $0x0  }
0x44: {  	s18 =	sshra.s32 s18, $0x2;
	[sflag:s13] =	ssyncadd.s32 $0xFFFFEC00  }
0x45: {  	[spmem:s2] =	stream.indirect.scatter.add.f32 [tilespmem:s11], [sflag:$0x2], $0x80, s18, s14, $0xb8;
	[tilespmem:$0x17480] =	vst v63  }
0x46: {  	_ =	swait.ge [sflag:s13], $0x1400  }
0x47: {  	[sflag:s13] =	ssyncset.done $0x0  }
0x48: {  	s18 =	sadd.s32 $0x28, s18;
	[sflag:s13] =	ssyncadd.s32 $0xFFFFEC00  }
0x49: {  	[spmem:s2] =	stream.indirect.scatter.add.f32 [tilespmem:s12], [sflag:$0x2], $0x80, s18, s14, $0xb8;
	[tilespmem:$0x17480] =	vst v63  }
0x4a: {  	_ =	swait.ge [sflag:s15], $0x1400  }
0x4b: {  	[sflag:s15] =	ssyncset.done $0x0  }
0x4c: {  	[sflag:s15] =	ssyncadd.s32 $0xFFFFEC00  }
0x4d: {  	_ =	swait.ge [sflag:s15], $0x1400  }
0x4e: {  	[sflag:s15] =	ssyncset.done $0x0  }
0x4f: {  	[sflag:s15] =	ssyncadd.s32 $0xFFFFEC00  }
0x50: {  	[tilespmem:s11], [sflag:$0x1] =	stream.linear.gather [hbm4b:s5+s3], $0x1400, $0x38;
	[tilespmem:$0x17480] =	vst v63  }
0x51: {  	_ =	swait.ge [sflag:s13], $0x1400  }
0x52: {  	[sflag:s13] =	ssyncset.done $0x0  }
0x53: {  	[sflag:s13] =	ssyncadd.s32 $0xFFFFEC00  }
0x54: {  	[spmem:s2] =	stream.indirect.scatter.add.f32 [tilespmem:s11], [sflag:$0x2], $0x80, s16, s14, $0xb8;
	[tilespmem:$0x17480] =	vst v63  }
0x55: {  	_ =	swait.ge [sflag:s15], $0x1400  }
0x56: {  	[sflag:s15] =	ssyncset.done $0x0  }
0x57: {  	s17 =	sadd.s32 $0x1, s17;
	[sflag:s15] =	ssyncadd.s32 $0xFFFFEC00  }
0x58: {  	p1 =	sne.s32 s17, s7;
	s18 =	simm.s32 @!p0 $0x1C03;
	[bflag:$0x0] =	sbarrier.arrive $0xFFFF  }
0x59: {  	[hbm:s6], [sflag:s18] =	dma.local @!p0 [spmem:s9], $0x27100  }
.Ltmp1:
0x5a: {  	_ = 	snop;
	(pc) =	sbr.rel @p1 .LBB2_1-.Ltmp1, $4  }
0x5b: {  	s18 =	simm.s32 @!p0 $0x3  }
0x5c: {  	_ =	swait.ge @!p0 [sflag:s18], $0x27100  }
0x5d: {  	[sflag:s18] =	ssyncset.done @!p0 $0x0  }
0x5e: {  	[sflag:s18] =	ssyncadd.s32 @!p0 $0xFFFD8F00  }
0x5f: {  	_ =	sfence.sel $0x180000  }
0x60: {  	[bflag:$0x0] =	sbarrier.arrive $0xFFFF  }
0x61: {  	_ =	strace $0x9000004D  }
0x62: {  	s0 =	sadd.s32 @!p0 $0x100000, s0;
	[bflag:$0x2] =	sbarrier.arrive $0xFFFF  }
0x63: {  	[sflag:s0] =	ssyncadd.tile.s32 @!p0 $0x1;
	_ =	shalt  }
.Lfunc_end2:
_tile_overlayer_lowered:
.L_overlay_start_2:
0x64: {  	(tag) =	ssettag $0x2  }
0x65: {  	s0 =	rddreg [dreg:$0x0];
	s2 =	stileid.u32  }
0x66: {  	s1 =	rddreg [dreg:$0x1];
	p0 =	sne.s32 s2, $0x0  }
0x67: {  	s3 =	rddreg [dreg:$0x2];
	[bflag:$0x3] =	sbarrier.arrive $0xFFFF;
	s2 =	simm.s32 @!p0 $0x1C03  }
0x68: {  	[timem:s3], [sflag:s2] =	dma.local @!p0 [hbm:s0], s1  }
0x69: {  	s0 =	simm.s32 @!p0 $0x3  }
0x6a: {  	_ =	swait.ge @!p0 [sflag:s0], s1  }
0x6b: {  	s1 =	ssub.s32 @!p0 $0x0, s1;
	[sflag:s0] =	ssyncset.done @!p0 $0x0  }
0x6c: {  	[sflag:s0] =	ssyncadd.s32 @!p0 s1  }
0x6d: {  	[bflag:$0x3] =	sbarrier.arrive $0xFFFF  }
0x6e: {  	_ =	shalt  }

</sc_bundles>
